<compile_context>
chip_gen: v7x
topology: tpu7x:2x2x1
jax: 0.10.2.dev20260603
libtpu: 0.0.44.dev20260713+nightly
codegen_flags: <defaults>
</compile_context>

<pallas_src>
import functools

import jax
import jax.numpy as jnp
from jax import lax
from jax.experimental import pallas as pl
from jax.experimental.pallas import tpu as pltpu
from jax.experimental.pallas import tpu_sc as plsc

NC = 2
NS = 16
NW = NC * NS

N_NODES = 10000
D = 128
G = 32
NP = 10112
ROWS_PER_TILE = NP // NS
PAD_ROW = N_NODES

CH = 128
CHUNKS = 79
EPT = CH * CHUNKS
EP = EPT * NW
CHUNKS2 = 2 * CHUNKS

_mesh = plsc.VectorSubcoreMesh(
    core_axis_name="c", subcore_axis_name="s", num_cores=NC, num_subcores=NS
)


@functools.partial(
    pl.kernel,
    out_type=jax.ShapeDtypeStruct((NC, NP), jnp.float32),
    mesh=_mesh,
    scratch_types=[
        pltpu.VMEM((CHUNKS, CH), jnp.int32),
        pltpu.VMEM((CH,), jnp.float32),
        pltpu.VMEM((NP,), jnp.float32),
        pltpu.VMEM_SHARED((NP,), jnp.float32),
    ],
)
def _deg_kernel(dst_hbm, deg_hbm, dst_v, ones_v, zeros_v, deg_sh):
    c = lax.axis_index("c")
    s = lax.axis_index("s")
    wid = s * NC + c
    pltpu.sync_copy(dst_hbm.at[wid], dst_v)

    def fill_ones(i, _):
        ones_v[pl.ds(i * 16, 16)] = jnp.full((16,), 1.0, jnp.float32)
        return 0

    lax.fori_loop(0, CH // 16, fill_ones, 0)

    @pl.when(s == 0)
    def _():
        def fill_z(i, _):
            zeros_v[pl.ds(i * 16, 16)] = jnp.zeros((16,), jnp.float32)
            return 0

        lax.fori_loop(0, NP // 16, fill_z, 0)
        pltpu.sync_copy(zeros_v, deg_sh)

    plsc.subcore_barrier()

    def body(j, _):
        pltpu.sync_copy(ones_v, deg_sh.at[dst_v.at[j]], add=True)
        return 0

    lax.fori_loop(0, CHUNKS, body, 0)
    plsc.subcore_barrier()

    @pl.when(s == 0)
    def _():
        pltpu.sync_copy(deg_sh, deg_hbm.at[c])


@functools.partial(
    pl.kernel,
    out_type=jax.ShapeDtypeStruct((NC, NP, D), jnp.float32),
    mesh=_mesh,
    scratch_types=[
        pltpu.VMEM((1, CH), jnp.int32),
        pltpu.VMEM((1, CH), jnp.int32),
        pltpu.VMEM((1, CH), jnp.int32),
        pltpu.VMEM((1, CH), jnp.int32),
        pltpu.VMEM((CH, D), jnp.float32),
        pltpu.VMEM((CH, D), jnp.float32),
        pltpu.VMEM_SHARED((NP, D), jnp.float32),
        pltpu.SemaphoreType.DMA,
        pltpu.SemaphoreType.DMA,
    ],
)
def _msg_kernel(src_hbm, dst_hbm, h_hbm, out_hbm, src_i0, dst_i0, src_i1,
                dst_i1, rows0, rows1, acc_sh, sem0, sem1):
    c = lax.axis_index("c")
    s = lax.axis_index("s")
    base = s * ROWS_PER_TILE

    def fill_z(i, _):
        rows0[i // 8, pl.ds((i % 8) * 16, 16)] = jnp.zeros((16,), jnp.float32)
        return 0

    lax.fori_loop(0, CH * (D // 16), fill_z, 0)

    off = 0
    for nb in (CH, CH, CH, CH, ROWS_PER_TILE - 4 * CH):
        pltpu.sync_copy(rows0.at[pl.ds(0, nb)], acc_sh.at[pl.ds(base + off, nb)])
        off += nb
    plsc.subcore_barrier()

    wid = s * NC + c

    def load_idx(m, si, di):
        flat = CHUNKS * wid + m
        pltpu.sync_copy(src_hbm.at[flat], si)
        pltpu.sync_copy(dst_hbm.at[flat], di)

    load_idx(0, src_i0, dst_i0)
    pltpu.async_copy(h_hbm.at[src_i0.at[0]], rows0, sem0)

    def pair(i, _):
        ma = 2 * i + 1
        mb = 2 * i + 2
        load_idx(ma, src_i1, dst_i1)
        pltpu.async_copy(h_hbm.at[src_i1.at[0]], rows1, sem1)
        pltpu.make_async_copy(h_hbm.at[src_i0.at[0]], rows0, sem0).wait()
        pltpu.sync_copy(rows0, acc_sh.at[dst_i0.at[0]], add=True)
        load_idx(mb, src_i0, dst_i0)
        pltpu.async_copy(h_hbm.at[src_i0.at[0]], rows0, sem0)
        pltpu.make_async_copy(h_hbm.at[src_i1.at[0]], rows1, sem1).wait()
        pltpu.sync_copy(rows1, acc_sh.at[dst_i1.at[0]], add=True)
        return 0

    lax.fori_loop(0, (CHUNKS - 1) // 2, pair, 0)
    pltpu.make_async_copy(h_hbm.at[src_i0.at[0]], rows0, sem0).wait()
    pltpu.sync_copy(rows0, acc_sh.at[dst_i0.at[0]], add=True)

    plsc.subcore_barrier()
    pltpu.sync_copy(
        acc_sh.at[pl.ds(base, ROWS_PER_TILE)],
        out_hbm.at[c, pl.ds(base, ROWS_PER_TILE)],
    )


def _tc1_body(x_ref, w1_ref, degp_ref, h1s_ref, dinv_ref):
    deg = degp_ref[0:1, :] + degp_ref[1:2, :] + 1.0
    dinv = lax.rsqrt(deg)
    dinv_ref[...] = dinv
    h1 = jnp.dot(x_ref[...], w1_ref[...], preferred_element_type=jnp.float32)
    h1s_ref[...] = h1 * jnp.reshape(dinv, (NP, 1))


def _tc2_body(p_ref, h1s_ref, dinv_ref, w2_ref, b1_ref, g1_ref, be1_ref, h2s_ref):
    dcol = jnp.reshape(dinv_ref[...], (NP, 1))
    z = dcol * (p_ref[0] + p_ref[1] + h1s_ref[...]) + b1_ref[...]
    zr = z[:N_NODES]
    mean = jnp.mean(zr, axis=0, keepdims=True)
    ctr = zr - mean
    var = jnp.mean(ctr * ctr, axis=0, keepdims=True)
    phi = jnp.maximum(g1_ref[...] * ctr * lax.rsqrt(var + 1e-5) + be1_ref[...], 0.0)
    h2 = jnp.dot(phi, w2_ref[...], preferred_element_type=jnp.float32)
    h2s_ref[pl.ds(0, N_NODES), :] = h2 * dcol[:N_NODES]
    h2s_ref[pl.ds(N_NODES, NP - N_NODES), :] = jnp.zeros(
        (NP - N_NODES, D), jnp.float32
    )


def _tc3_body(p_ref, h2s_ref, dinv_ref, batch_ref, w_c_ref, b2_ref, g2_ref,
              be2_ref, bc_ref, out_ref):
    dcol = jnp.reshape(dinv_ref[...], (NP, 1))[:N_NODES]
    z = dcol * (p_ref[0] + p_ref[1] + h2s_ref[...])[:N_NODES] + b2_ref[...]
    mean = jnp.mean(z, axis=0, keepdims=True)
    ctr = z - mean
    var = jnp.mean(ctr * ctr, axis=0, keepdims=True)
    phi = jnp.maximum(g2_ref[...] * ctr * lax.rsqrt(var + 1e-5) + be2_ref[...], 0.0)
    iota = lax.broadcasted_iota(jnp.int32, (N_NODES, G), 1)
    oh = (batch_ref[...] == iota).astype(jnp.float32)
    sums = lax.dot_general(
        oh, phi, (((0,), (0,)), ((), ())), preferred_element_type=jnp.float32
    )
    cnt = lax.dot_general(
        oh, jnp.ones((N_NODES, 1), jnp.float32), (((0,), (0,)), ((), ())),
        preferred_element_type=jnp.float32,
    )
    pooled = sums / jnp.maximum(cnt, 1.0)
    logits = (
        jnp.dot(pooled, w_c_ref[...], preferred_element_type=jnp.float32)
        + bc_ref[...]
    )
    out_ref[...] = jax.nn.sigmoid(logits)


_tc1 = pl.pallas_call(
    _tc1_body,
    out_shape=(
        jax.ShapeDtypeStruct((NP, D), jnp.float32),
        jax.ShapeDtypeStruct((1, NP), jnp.float32),
    ),
)

_tc2 = pl.pallas_call(
    _tc2_body,
    out_shape=jax.ShapeDtypeStruct((NP, D), jnp.float32),
)

_tc3 = pl.pallas_call(
    _tc3_body,
    out_shape=jax.ShapeDtypeStruct((G, 16), jnp.float32),
)


def kernel(x, edge_index, batch, W1, b1, g1, be1, W2, b2, g2, be2, Wc, bc):
    e = edge_index.shape[1]
    pad_e = EP - e
    src_p = jnp.concatenate(
        [edge_index[0], jnp.full((pad_e,), PAD_ROW, jnp.int32)]
    ).reshape(NW, CHUNKS, CH)
    dst_p = jnp.concatenate(
        [edge_index[1], jnp.full((pad_e,), PAD_ROW, jnp.int32)]
    ).reshape(NW, CHUNKS, CH)
    x_p = jnp.pad(x, ((0, NP - N_NODES), (0, 0)))

    src_f = src_p.reshape(NW * CHUNKS, 1, CH)
    dst_f = dst_p.reshape(NW * CHUNKS, 1, CH)
    degp = _deg_kernel(dst_p)
    h1s, dinv = _tc1(x_p, W1, degp)
    part1 = _msg_kernel(src_f, dst_f, h1s)
    h2s = _tc2(part1, h1s, dinv, W2, b1.reshape(1, D), g1.reshape(1, D),
               be1.reshape(1, D))
    part2 = _msg_kernel(src_f, dst_f, h2s)
    out = _tc3(part2, h2s, dinv, batch.reshape(N_NODES, 1), Wc,
               b2.reshape(1, D), g2.reshape(1, D), be2.reshape(1, D),
               bc.reshape(1, 16))
    return out

# --- scband reference (transcript-rebuilt; emitter-appended) ---
"""Pipeline reference for scband-gcn2-52819507806386 (READ-ONLY COPY).

The authoritative reference and input builder live on the scoring server;
editing this copy changes nothing except your own understanding.
"""

import jax, jax.numpy as jnp
import numpy as np

N = 10000
E = 320000
D = 128
H = 128
C = 16
G = 32


def setup_inputs(seed: int = 0) -> dict:
    key = jax.random.key(seed)
    ks = jax.random.split(key, 14)
    x = jax.random.normal(ks[0], (N, D), dtype=jnp.float32)
    edge_index = jax.random.randint(ks[1], (2, E), 0, N, dtype=jnp.int32)
    batch = jnp.sort(jax.random.randint(ks[2], (N,), 0, G, dtype=jnp.int32))
    W1 = jax.random.normal(ks[3], (D, H), dtype=jnp.float32) * 0.05
    b1 = jnp.zeros((H,), dtype=jnp.float32)
    g1 = jnp.ones((H,), dtype=jnp.float32)
    be1 = jnp.zeros((H,), dtype=jnp.float32)
    W2 = jax.random.normal(ks[4], (H, H), dtype=jnp.float32) * 0.05
    b2 = jnp.zeros((H,), dtype=jnp.float32)
    g2 = jnp.ones((H,), dtype=jnp.float32)
    be2 = jnp.zeros((H,), dtype=jnp.float32)
    Wc = jax.random.normal(ks[5], (H, C), dtype=jnp.float32) * 0.05
    bc = jnp.zeros((C,), dtype=jnp.float32)
    return {"x": x, "edge_index": edge_index, "batch": batch,
            "W1": W1, "b1": b1, "g1": g1, "be1": be1,
            "W2": W2, "b2": b2, "g2": g2, "be2": be2,
            "Wc": Wc, "bc": bc}


def _gcn_conv(x, edge_index, W, b):
    n = x.shape[0]
    loop = jnp.arange(n, dtype=edge_index.dtype)
    src = jnp.concatenate([edge_index[0], loop])
    dst = jnp.concatenate([edge_index[1], loop])
    deg = jnp.zeros((n,), dtype=x.dtype).at[dst].add(1.0)
    dinv = jax.lax.rsqrt(jnp.maximum(deg, 1.0))
    norm = dinv[src] * dinv[dst]
    h = x @ W
    msg = h[src] * norm[:, None]
    out = jnp.zeros((n, h.shape[1]), dtype=x.dtype).at[dst].add(msg)
    return out + b


def _batch_norm(x, gamma, beta, eps=1e-5):
    mean = jnp.mean(x, axis=0)
    var = jnp.var(x, axis=0)
    return gamma * (x - mean) * jax.lax.rsqrt(var + eps) + beta


def _global_mean_pool(x, batch, num_graphs):
    sums = jax.ops.segment_sum(x, batch, num_segments=num_graphs)
    cnt = jax.ops.segment_sum(jnp.ones((x.shape[0],), dtype=x.dtype), batch, num_segments=num_graphs)
    return sums / jnp.maximum(cnt, 1.0)[:, None]


def reference(x, edge_index, batch, W1, b1, g1, be1, W2, b2, g2, be2, Wc, bc):
    h = _gcn_conv(x, edge_index, W1, b1)
    h = _batch_norm(h, g1, be1)
    h = jax.nn.relu(h)
    # dropout: identity (inference / deterministic reference)
    h = _gcn_conv(h, edge_index, W2, b2)
    h = _batch_norm(h, g2, be2)
    h = jax.nn.relu(h)
    pooled = _global_mean_pool(h, batch, G)
    logits = pooled @ Wc + bc
    return jax.nn.sigmoid(logits)

if __name__ == "__main__":
    import jax
    _d = setup_inputs()
    print(jax.jit(kernel)(*tuple(_d.values())))

</pallas_src>

<mosaic_0001>
#map = affine_map<(d0, d1) -> (0, 0, 0)>
#map1 = affine_map<(d0, d1) -> (0, 0)>
module attributes {stable_mosaic.version = 14 : i64} {
  func.func @_deg_kernel(%arg0: i32, %arg1: i32, %arg2: memref<32x79x128xi32, #tpu.memory_space<hbm>>, %arg3: memref<2x10112xf32, #tpu.memory_space<hbm>>, %arg4: memref<79x128xi32, #tpu.memory_space<vmem>>, %arg5: memref<128xf32, #tpu.memory_space<vmem>>, %arg6: memref<10112xf32, #tpu.memory_space<vmem>>, %arg7: memref<10112xf32, #tpu.memory_space<vmem_shared>>) attributes {dimension_semantics = [#tpu.dimension_semantics<core_parallel>, #tpu.dimension_semantics<subcore_parallel>], iteration_bounds = array<i64: 2, 16>, scalar_prefetch = 0 : i64, scratch_operands = 4 : i64, tpu.core_type = #tpu.core_type<sc_vector_subcore>, window_params = [{transform_indices = #map}, {transform_indices = #map1}]} {
    %mul3A = arith.constant 2 : i32
    %mul3A_0 = arith.muli %arg1, %mul3A : i32
    %add3A = arith.addi %mul3A_0, %arg0 : i32
    "tpu.region"() ({
      %run_scoped3A = tpu.sem_alloc : memref<!tpu.dma_semaphore, #tpu.memory_space<semaphore_mem>>
      %dma_start3A = arith.constant 0 : i32
      %dma_start3A_22 = arith.constant 0 : i32
      %dma_start3A_23 = tpu.memref_slice %arg2[%add3A, %dma_start3A, %dma_start3A_22] : memref<32x79x128xi32, #tpu.memory_space<hbm>> -> memref<1x79x128xi32, #tpu.memory_space<hbm>>
      %dma_start3A_24 = tpu.memref_squeeze %dma_start3A_23 : memref<1x79x128xi32, #tpu.memory_space<hbm>> -> memref<79x128xi32, #tpu.memory_space<hbm>>
      %dma_start3A_25 = arith.constant 0 : i32
      %dma_start3A_26 = arith.constant 0 : i32
      %dma_start3A_27 = tpu.memref_slice %arg2[%add3A, %dma_start3A_25, %dma_start3A_26] : memref<32x79x128xi32, #tpu.memory_space<hbm>> -> memref<1x79x128xi32, #tpu.memory_space<hbm>>
      %dma_start3A_28 = tpu.memref_squeeze %dma_start3A_27 : memref<1x79x128xi32, #tpu.memory_space<hbm>> -> memref<79x128xi32, #tpu.memory_space<hbm>>
      tpu.enqueue_dma source(%dma_start3A_28 : memref<79x128xi32, #tpu.memory_space<hbm>>) target(%arg4 : memref<79x128xi32, #tpu.memory_space<vmem>>) target_semaphore(%run_scoped3A : memref<!tpu.dma_semaphore, #tpu.memory_space<semaphore_mem>>)
      %dma_wait3A = arith.constant 0 : i32
      %dma_wait3A_29 = arith.constant 0 : i32
      %dma_wait3A_30 = tpu.memref_slice %arg2[%add3A, %dma_wait3A, %dma_wait3A_29] : memref<32x79x128xi32, #tpu.memory_space<hbm>> -> memref<1x79x128xi32, #tpu.memory_space<hbm>>
      %dma_wait3A_31 = tpu.memref_squeeze %dma_wait3A_30 : memref<1x79x128xi32, #tpu.memory_space<hbm>> -> memref<79x128xi32, #tpu.memory_space<hbm>>
      %dma_wait3A_32 = arith.constant 0 : i32
      %dma_wait3A_33 = arith.constant 0 : i32
      %dma_wait3A_34 = tpu.memref_slice %arg2[%add3A, %dma_wait3A_32, %dma_wait3A_33] : memref<32x79x128xi32, #tpu.memory_space<hbm>> -> memref<1x79x128xi32, #tpu.memory_space<hbm>>
      %dma_wait3A_35 = tpu.memref_squeeze %dma_wait3A_34 : memref<1x79x128xi32, #tpu.memory_space<hbm>> -> memref<79x128xi32, #tpu.memory_space<hbm>>
      tpu.wait_dma2 semaphore(%run_scoped3A : memref<!tpu.dma_semaphore, #tpu.memory_space<semaphore_mem>>) src(%dma_wait3A_35 : memref<79x128xi32, #tpu.memory_space<hbm>>) dst(%arg4 : memref<79x128xi32, #tpu.memory_space<vmem>>)
      tpu.yield
    }) : () -> ()
    %scan3A = arith.constant 0 : i32
    %scan3A_1 = arith.constant 0 : i32
    %scan3A_2 = arith.constant 8 : i32
    %scan3A_3 = arith.addi %scan3A_1, %scan3A_2 : i32
    %scan3A_4 = arith.constant 1 : i32
    %scan3A_5 = scf.for %scan3A_22 = %scan3A_1 to %scan3A_3 step %scan3A_4 iter_args(%scan3A_23 = %scan3A) -> (i32)  : i32 {
      %broadcast_in_dim3A = arith.constant 1.000000e+00 : f32
      %broadcast_in_dim3A_24 = vector.broadcast %broadcast_in_dim3A : f32 to vector<16xf32>
      %mul3A_25 = arith.constant 16 : i32
      %mul3A_26 = arith.muli %scan3A_22, %mul3A_25 : i32
      %swap3A = arith.index_cast %mul3A_26 : i32 to index
      %swap3A_27 = tpu.vector_load %arg5[%swap3A] {strides = array<i32>} : memref<128xf32, #tpu.memory_space<vmem>>, vector<16xf32>,
      %swap3A_28 = vector.shape_cast %swap3A_27 : vector<16xf32> to vector<16xf32>
      %swap3A_29 = vector.shape_cast %broadcast_in_dim3A_24 : vector<16xf32> to vector<16xf32>
      tpu.vector_store %arg5[%swap3A], %swap3A_29 {strides = array<i32>} : memref<128xf32, #tpu.memory_space<vmem>>, vector<16xf32>,
      %scan3A_30 = arith.constant 0 : i32
      scf.yield %scan3A_30 : i32
    }
    %scan3A_6 = arith.constant 8 : i32
    %eq3A = arith.constant 0 : i32
    %eq3A_7 = arith.cmpi eq, %arg1, %eq3A : i32
    %convert_element_type3A = arith.extui %eq3A_7 : i1 to i32
    %cond3A = arith.constant 0 : i32
    %cond3A_8 = arith.cmpi ne, %convert_element_type3A, %cond3A : i32
    scf.if %cond3A_8 {
      %scan3A_22 = arith.constant 0 : i32
      %scan3A_23 = arith.constant 0 : i32
      %scan3A_24 = arith.constant 632 : i32
      %scan3A_25 = arith.addi %scan3A_23, %scan3A_24 : i32
      %scan3A_26 = arith.constant 1 : i32
      %scan3A_27 = scf.for %scan3A_29 = %scan3A_23 to %scan3A_25 step %scan3A_26 iter_args(%scan3A_30 = %scan3A_22) -> (i32)  : i32 {
        %broadcast_in_dim3A = arith.constant 0.000000e+00 : f32
        %broadcast_in_dim3A_31 = vector.broadcast %broadcast_in_dim3A : f32 to vector<16xf32>
        %mul3A_32 = arith.constant 16 : i32
        %mul3A_33 = arith.muli %scan3A_29, %mul3A_32 : i32
        %swap3A = arith.index_cast %mul3A_33 : i32 to index
        %swap3A_34 = tpu.vector_load %arg6[%swap3A] {strides = array<i32>} : memref<10112xf32, #tpu.memory_space<vmem>>, vector<16xf32>,
        %swap3A_35 = vector.shape_cast %swap3A_34 : vector<16xf32> to vector<16xf32>
        %swap3A_36 = vector.shape_cast %broadcast_in_dim3A_31 : vector<16xf32> to vector<16xf32>
        tpu.vector_store %arg6[%swap3A], %swap3A_36 {strides = array<i32>} : memref<10112xf32, #tpu.memory_space<vmem>>, vector<16xf32>,
        %scan3A_37 = arith.constant 0 : i32
        scf.yield %scan3A_37 : i32
      }
      %scan3A_28 = arith.constant 632 : i32
      "tpu.region"() ({
        %run_scoped3A = tpu.sem_alloc : memref<!tpu.dma_semaphore, #tpu.memory_space<semaphore_mem>>
        tpu.enqueue_dma source(%arg6 : memref<10112xf32, #tpu.memory_space<vmem>>) target(%arg7 : memref<10112xf32, #tpu.memory_space<vmem_shared>>) target_semaphore(%run_scoped3A : memref<!tpu.dma_semaphore, #tpu.memory_space<semaphore_mem>>)
        tpu.wait_dma2 semaphore(%run_scoped3A : memref<!tpu.dma_semaphore, #tpu.memory_space<semaphore_mem>>) src(%arg6 : memref<10112xf32, #tpu.memory_space<vmem>>) dst(%arg7 : memref<10112xf32, #tpu.memory_space<vmem_shared>>)
        tpu.yield
      }) : () -> ()
    } else {
    }
    %barrier3A = arith.constant 0 : index
    tpu.barrier barrier_id(%barrier3A)
    %scan3A_9 = arith.constant 0 : i32
    %scan3A_10 = arith.constant 0 : i32
    %scan3A_11 = arith.constant 79 : i32
    %scan3A_12 = arith.addi %scan3A_10, %scan3A_11 : i32
    %scan3A_13 = arith.constant 1 : i32
    %scan3A_14 = scf.for %scan3A_22 = %scan3A_10 to %scan3A_12 step %scan3A_13 iter_args(%scan3A_23 = %scan3A_9) -> (i32)  : i32 {
      "tpu.region"() ({
        %run_scoped3A = tpu.sem_alloc : memref<!tpu.dma_semaphore, #tpu.memory_space<semaphore_mem>>
        %dma_start3A = arith.constant 0 : i32
        %dma_start3A_25 = tpu.memref_slice %arg4[%scan3A_22, %dma_start3A] : memref<79x128xi32, #tpu.memory_space<vmem>> -> memref<1x128xi32, #tpu.memory_space<vmem>>
        %dma_start3A_26 = tpu.memref_squeeze %dma_start3A_25 : memref<1x128xi32, #tpu.memory_space<vmem>> -> memref<128xi32, #tpu.memory_space<vmem>>
        %dma_start3A_27 = arith.constant 0 : i32
        %dma_start3A_28 = tpu.memref_slice %arg7[%dma_start3A_27] : memref<10112xf32, #tpu.memory_space<vmem_shared>> -> memref<10112xf32, #tpu.memory_space<vmem_shared>>
        tpu.enqueue_indirect_dma source(%arg5 : memref<128xf32, #tpu.memory_space<vmem>>) target(%dma_start3A_28 : memref<10112xf32, #tpu.memory_space<vmem_shared>>) offsets(%dma_start3A_26 : memref<128xi32, #tpu.memory_space<vmem>>) semaphore(%run_scoped3A : memref<!tpu.dma_semaphore, #tpu.memory_space<semaphore_mem>>) {add = true}
        %dma_wait3A = arith.constant 0 : i32
        %dma_wait3A_29 = tpu.memref_slice %arg4[%scan3A_22, %dma_wait3A] : memref<79x128xi32, #tpu.memory_space<vmem>> -> memref<1x128xi32, #tpu.memory_space<vmem>>
        %dma_wait3A_30 = tpu.memref_squeeze %dma_wait3A_29 : memref<1x128xi32, #tpu.memory_space<vmem>> -> memref<128xi32, #tpu.memory_space<vmem>>
        %dma_wait3A_31 = arith.constant 0 : i32
        %dma_wait3A_32 = tpu.memref_slice %arg7[%dma_wait3A_31] : memref<10112xf32, #tpu.memory_space<vmem_shared>> -> memref<10112xf32, #tpu.memory_space<vmem_shared>>
        tpu.wait_indirect_dma semaphore(%run_scoped3A : memref<!tpu.dma_semaphore, #tpu.memory_space<semaphore_mem>>) src(%arg5 : memref<128xf32, #tpu.memory_space<vmem>>) dst(%dma_wait3A_32 : memref<10112xf32, #tpu.memory_space<vmem_shared>>)
        tpu.yield
      }) : () -> ()
      %scan3A_24 = arith.constant 0 : i32
      scf.yield %scan3A_24 : i32
    }
    %scan3A_15 = arith.constant 79 : i32
    %barrier3A_16 = arith.constant 0 : index
    tpu.barrier barrier_id(%barrier3A_16)
    %eq3A_17 = arith.constant 0 : i32
    %eq3A_18 = arith.cmpi eq, %arg1, %eq3A_17 : i32
    %convert_element_type3A_19 = arith.extui %eq3A_18 : i1 to i32
    %cond3A_20 = arith.constant 0 : i32
    %cond3A_21 = arith.cmpi ne, %convert_element_type3A_19, %cond3A_20 : i32
    scf.if %cond3A_21 {
      "tpu.region"() ({
        %run_scoped3A = tpu.sem_alloc : memref<!tpu.dma_semaphore, #tpu.memory_space<semaphore_mem>>
        %dma_start3A = arith.constant 0 : i32
        %dma_start3A_22 = tpu.memref_slice %arg3[%arg0, %dma_start3A] : memref<2x10112xf32, #tpu.memory_space<hbm>> -> memref<1x10112xf32, #tpu.memory_space<hbm>>
        %dma_start3A_23 = tpu.memref_squeeze %dma_start3A_22 : memref<1x10112xf32, #tpu.memory_space<hbm>> -> memref<10112xf32, #tpu.memory_space<hbm>>
        tpu.enqueue_dma source(%arg7 : memref<10112xf32, #tpu.memory_space<vmem_shared>>) target(%dma_start3A_23 : memref<10112xf32, #tpu.memory_space<hbm>>) target_semaphore(%run_scoped3A : memref<!tpu.dma_semaphore, #tpu.memory_space<semaphore_mem>>)
        %dma_wait3A = arith.constant 0 : i32
        %dma_wait3A_24 = tpu.memref_slice %arg3[%arg0, %dma_wait3A] : memref<2x10112xf32, #tpu.memory_space<hbm>> -> memref<1x10112xf32, #tpu.memory_space<hbm>>
        %dma_wait3A_25 = tpu.memref_squeeze %dma_wait3A_24 : memref<1x10112xf32, #tpu.memory_space<hbm>> -> memref<10112xf32, #tpu.memory_space<hbm>>
        tpu.wait_dma2 semaphore(%run_scoped3A : memref<!tpu.dma_semaphore, #tpu.memory_space<semaphore_mem>>) src(%arg7 : memref<10112xf32, #tpu.memory_space<vmem_shared>>) dst(%dma_wait3A_25 : memref<10112xf32, #tpu.memory_space<hbm>>)
        tpu.yield
      }) : () -> ()
    } else {
    }
    return
  }
}

#map = affine_map<(d0, d1) -> (0, 0, 0)>
#map1 = affine_map<(d0, d1) -> (0, 0)>
module attributes {stable_mosaic.version = 14 : i64} {
  func.func @_msg_kernel(%arg0: i32, %arg1: i32, %arg2: memref<2528x1x128xi32, #tpu.memory_space<hbm>>, %arg3: memref<2528x1x128xi32, #tpu.memory_space<hbm>>, %arg4: memref<10112x128xf32, #tpu.memory_space<hbm>>, %arg5: memref<2x10112x128xf32, #tpu.memory_space<hbm>>, %arg6: memref<1x128xi32, #tpu.memory_space<vmem>>, %arg7: memref<1x128xi32, #tpu.memory_space<vmem>>, %arg8: memref<1x128xi32, #tpu.memory_space<vmem>>, %arg9: memref<1x128xi32, #tpu.memory_space<vmem>>, %arg10: memref<128x128xf32, #tpu.memory_space<vmem>>, %arg11: memref<128x128xf32, #tpu.memory_space<vmem>>, %arg12: memref<10112x128xf32, #tpu.memory_space<vmem_shared>>, %arg13: memref<!tpu.dma_semaphore, #tpu.memory_space<semaphore_mem>>, %arg14: memref<!tpu.dma_semaphore, #tpu.memory_space<semaphore_mem>>) attributes {dimension_semantics = [#tpu.dimension_semantics<core_parallel>, #tpu.dimension_semantics<subcore_parallel>], iteration_bounds = array<i64: 2, 16>, scalar_prefetch = 0 : i64, scratch_operands = 9 : i64, tpu.core_type = #tpu.core_type<sc_vector_subcore>, window_params = [{transform_indices = #map}, {transform_indices = #map}, {transform_indices = #map1}, {transform_indices = #map}]} {
    %mul3A = arith.constant 632 : i32
    %mul3A_0 = arith.muli %arg1, %mul3A : i32
    %scan3A = arith.constant 0 : i32
    %scan3A_1 = arith.constant 0 : i32
    %scan3A_2 = arith.constant 1024 : i32
    %scan3A_3 = arith.addi %scan3A_1, %scan3A_2 : i32
    %scan3A_4 = arith.constant 1 : i32
    %scan3A_5 = scf.for %scan3A_43 = %scan3A_1 to %scan3A_3 step %scan3A_4 iter_args(%scan3A_44 = %scan3A) -> (i32)  : i32 {
      %broadcast_in_dim3A = arith.constant 0.000000e+00 : f32
      %broadcast_in_dim3A_45 = vector.broadcast %broadcast_in_dim3A : f32 to vector<16xf32>
      %jit3A = arith.constant 8 : i32
      %div3A = arith.divsi %scan3A_43, %jit3A : i32
      %sign3A = arith.constant 0 : i32
      %sign3A_46 = arith.cmpi sgt, %scan3A_43, %sign3A : i32
      %sign3A_47 = arith.extui %sign3A_46 : i1 to i32
      %sign3A_48 = arith.constant 0 : i32
      %sign3A_49 = arith.cmpi slt, %scan3A_43, %sign3A_48 : i32
      %sign3A_50 = arith.extui %sign3A_49 : i1 to i32
      %sign3A_51 = arith.subi %sign3A_47, %sign3A_50 : i32
      %sign3A_52 = arith.constant 0 : i32
      %sign3A_53 = arith.cmpi sgt, %jit3A, %sign3A_52 : i32
      %sign3A_54 = arith.extui %sign3A_53 : i1 to i32
      %sign3A_55 = arith.constant 0 : i32
      %sign3A_56 = arith.cmpi slt, %jit3A, %sign3A_55 : i32
      %sign3A_57 = arith.extui %sign3A_56 : i1 to i32
      %sign3A_58 = arith.subi %sign3A_54, %sign3A_57 : i32
      %ne3A = arith.cmpi ne, %sign3A_51, %sign3A_58 : i32
      %rem3A = arith.remsi %scan3A_43, %jit3A : i32
      %ne3A_59 = arith.constant 0 : i32
      %ne3A_60 = arith.cmpi ne, %rem3A, %ne3A_59 : i32
      %and3A = arith.andi %ne3A, %ne3A_60 : i1
      %sub3A = arith.constant 1 : i32
      %sub3A_61 = arith.subi %div3A, %sub3A : i32
      %select_n3A = arith.select %and3A, %sub3A_61, %div3A : i32
      %jit3A_62 = arith.constant 8 : i32
      %eq3A = arith.constant 0 : i32
      %eq3A_63 = arith.cmpi eq, %jit3A_62, %eq3A : i32
      %jit3A_64 = arith.constant 1 : i32
      %select_n3A_65 = arith.select %eq3A_63, %jit3A_64, %jit3A_62 : i32
      %rem3A_66 = arith.remsi %scan3A_43, %select_n3A_65 : i32
      %ne3A_67 = arith.constant 0 : i32
      %ne3A_68 = arith.cmpi ne, %rem3A_66, %ne3A_67 : i32
      %lt3A = arith.constant 0 : i32
      %lt3A_69 = arith.cmpi slt, %rem3A_66, %lt3A : i32
      %lt3A_70 = arith.constant 0 : i32
      %lt3A_71 = arith.cmpi slt, %select_n3A_65, %lt3A_70 : i32
      %ne3A_72 = arith.xori %lt3A_69, %lt3A_71 : i1
      %and3A_73 = arith.andi %ne3A_72, %ne3A_68 : i1
      %add3A_74 = arith.addi %rem3A_66, %select_n3A_65 : i32
      %select_n3A_75 = arith.select %and3A_73, %add3A_74, %rem3A_66 : i32
      %mul3A_76 = arith.constant 16 : i32
      %mul3A_77 = arith.muli %select_n3A_75, %mul3A_76 : i32
      %swap3A = arith.index_cast %select_n3A : i32 to index
      %swap3A_78 = arith.index_cast %mul3A_77 : i32 to index
      %swap3A_79 = tpu.vector_load %arg10[%swap3A, %swap3A_78] {strides = array<i32>} : memref<128x128xf32, #tpu.memory_space<vmem>>, vector<1x16xf32>,
      %swap3A_80 = vector.shape_cast %swap3A_79 : vector<1x16xf32> to vector<16xf32>
      %swap3A_81 = vector.shape_cast %broadcast_in_dim3A_45 : vector<16xf32> to vector<1x16xf32>
      tpu.vector_store %arg10[%swap3A, %swap3A_78], %swap3A_81 {strides = array<i32>} : memref<128x128xf32, #tpu.memory_space<vmem>>, vector<1x16xf32>,
      %scan3A_82 = arith.constant 0 : i32
      scf.yield %scan3A_82 : i32
    }
    %scan3A_6 = arith.constant 1024 : i32
    %add3A = arith.constant 0 : i32
    %add3A_7 = arith.addi %mul3A_0, %add3A : i32
    "tpu.region"() ({
      %run_scoped3A_43 = tpu.sem_alloc : memref<!tpu.dma_semaphore, #tpu.memory_space<semaphore_mem>>
      %dma_start3A_44 = arith.constant 0 : i32
      %dma_start3A_45 = arith.constant 0 : i32
      %dma_start3A_46 = tpu.memref_slice %arg10[%dma_start3A_44, %dma_start3A_45] : memref<128x128xf32, #tpu.memory_space<vmem>> -> memref<128x128xf32, #tpu.memory_space<vmem>>
      %dma_start3A_47 = arith.constant 0 : i32
      %dma_start3A_48 = tpu.memref_slice %arg12[%add3A_7, %dma_start3A_47] : memref<10112x128xf32, #tpu.memory_space<vmem_shared>> -> memref<128x128xf32, #tpu.memory_space<vmem_shared>>
      %dma_start3A_49 = arith.constant 0 : i32
      %dma_start3A_50 = tpu.memref_slice %arg12[%add3A_7, %dma_start3A_49] : memref<10112x128xf32, #tpu.memory_space<vmem_shared>> -> memref<128x128xf32, #tpu.memory_space<vmem_shared>>
      %dma_start3A_51 = arith.constant 0 : i32
      %dma_start3A_52 = arith.constant 0 : i32
      %dma_start3A_53 = tpu.memref_slice %arg10[%dma_start3A_51, %dma_start3A_52] : memref<128x128xf32, #tpu.memory_space<vmem>> -> memref<128x128xf32, #tpu.memory_space<vmem>>
      tpu.enqueue_dma source(%dma_start3A_53 : memref<128x128xf32, #tpu.memory_space<vmem>>) target(%dma_start3A_50 : memref<128x128xf32, #tpu.memory_space<vmem_shared>>) target_semaphore(%run_scoped3A_43 : memref<!tpu.dma_semaphore, #tpu.memory_space<semaphore_mem>>)
      %dma_wait3A_54 = arith.constant 0 : i32
      %dma_wait3A_55 = arith.constant 0 : i32
      %dma_wait3A_56 = tpu.memref_slice %arg10[%dma_wait3A_54, %dma_wait3A_55] : memref<128x128xf32, #tpu.memory_space<vmem>> -> memref<128x128xf32, #tpu.memory_space<vmem>>
      %dma_wait3A_57 = arith.constant 0 : i32
      %dma_wait3A_58 = tpu.memref_slice %arg12[%add3A_7, %dma_wait3A_57] : memref<10112x128xf32, #tpu.memory_space<vmem_shared>> -> memref<128x128xf32, #tpu.memory_space<vmem_shared>>
      %dma_wait3A_59 = arith.constant 0 : i32
      %dma_wait3A_60 = tpu.memref_slice %arg12[%add3A_7, %dma_wait3A_59] : memref<10112x128xf32, #tpu.memory_space<vmem_shared>> -> memref<128x128xf32, #tpu.memory_space<vmem_shared>>
      %dma_wait3A_61 = arith.constant 0 : i32
      %dma_wait3A_62 = arith.constant 0 : i32
      %dma_wait3A_63 = tpu.memref_slice %arg10[%dma_wait3A_61, %dma_wait3A_62] : memref<128x128xf32, #tpu.memory_space<vmem>> -> memref<128x128xf32, #tpu.memory_space<vmem>>
      tpu.wait_dma2 semaphore(%run_scoped3A_43 : memref<!tpu.dma_semaphore, #tpu.memory_space<semaphore_mem>>) src(%dma_wait3A_63 : memref<128x128xf32, #tpu.memory_space<vmem>>) dst(%dma_wait3A_60 : memref<128x128xf32, #tpu.memory_space<vmem_shared>>)
      tpu.yield
    }) : () -> ()
    %add3A_8 = arith.constant 128 : i32
    %add3A_9 = arith.addi %mul3A_0, %add3A_8 : i32
    "tpu.region"() ({
      %run_scoped3A_43 = tpu.sem_alloc : memref<!tpu.dma_semaphore, #tpu.memory_space<semaphore_mem>>
      %dma_start3A_44 = arith.constant 0 : i32
      %dma_start3A_45 = arith.constant 0 : i32
      %dma_start3A_46 = tpu.memref_slice %arg10[%dma_start3A_44, %dma_start3A_45] : memref<128x128xf32, #tpu.memory_space<vmem>> -> memref<128x128xf32, #tpu.memory_space<vmem>>
      %dma_start3A_47 = arith.constant 0 : i32
      %dma_start3A_48 = tpu.memref_slice %arg12[%add3A_9, %dma_start3A_47] : memref<10112x128xf32, #tpu.memory_space<vmem_shared>> -> memref<128x128xf32, #tpu.memory_space<vmem_shared>>
      %dma_start3A_49 = arith.constant 0 : i32
      %dma_start3A_50 = tpu.memref_slice %arg12[%add3A_9, %dma_start3A_49] : memref<10112x128xf32, #tpu.memory_space<vmem_shared>> -> memref<128x128xf32, #tpu.memory_space<vmem_shared>>
      %dma_start3A_51 = arith.constant 0 : i32
      %dma_start3A_52 = arith.constant 0 : i32
      %dma_start3A_53 = tpu.memref_slice %arg10[%dma_start3A_51, %dma_start3A_52] : memref<128x128xf32, #tpu.memory_space<vmem>> -> memref<128x128xf32, #tpu.memory_space<vmem>>
      tpu.enqueue_dma source(%dma_start3A_53 : memref<128x128xf32, #tpu.memory_space<vmem>>) target(%dma_start3A_50 : memref<128x128xf32, #tpu.memory_space<vmem_shared>>) target_semaphore(%run_scoped3A_43 : memref<!tpu.dma_semaphore, #tpu.memory_space<semaphore_mem>>)
      %dma_wait3A_54 = arith.constant 0 : i32
      %dma_wait3A_55 = arith.constant 0 : i32
      %dma_wait3A_56 = tpu.memref_slice %arg10[%dma_wait3A_54, %dma_wait3A_55] : memref<128x128xf32, #tpu.memory_space<vmem>> -> memref<128x128xf32, #tpu.memory_space<vmem>>
      %dma_wait3A_57 = arith.constant 0 : i32
      %dma_wait3A_58 = tpu.memref_slice %arg12[%add3A_9, %dma_wait3A_57] : memref<10112x128xf32, #tpu.memory_space<vmem_shared>> -> memref<128x128xf32, #tpu.memory_space<vmem_shared>>
      %dma_wait3A_59 = arith.constant 0 : i32
      %dma_wait3A_60 = tpu.memref_slice %arg12[%add3A_9, %dma_wait3A_59] : memref<10112x128xf32, #tpu.memory_space<vmem_shared>> -> memref<128x128xf32, #tpu.memory_space<vmem_shared>>
      %dma_wait3A_61 = arith.constant 0 : i32
      %dma_wait3A_62 = arith.constant 0 : i32
      %dma_wait3A_63 = tpu.memref_slice %arg10[%dma_wait3A_61, %dma_wait3A_62] : memref<128x128xf32, #tpu.memory_space<vmem>> -> memref<128x128xf32, #tpu.memory_space<vmem>>
      tpu.wait_dma2 semaphore(%run_scoped3A_43 : memref<!tpu.dma_semaphore, #tpu.memory_space<semaphore_mem>>) src(%dma_wait3A_63 : memref<128x128xf32, #tpu.memory_space<vmem>>) dst(%dma_wait3A_60 : memref<128x128xf32, #tpu.memory_space<vmem_shared>>)
      tpu.yield
    }) : () -> ()
    %add3A_10 = arith.constant 256 : i32
    %add3A_11 = arith.addi %mul3A_0, %add3A_10 : i32
    "tpu.region"() ({
      %run_scoped3A_43 = tpu.sem_alloc : memref<!tpu.dma_semaphore, #tpu.memory_space<semaphore_mem>>
      %dma_start3A_44 = arith.constant 0 : i32
      %dma_start3A_45 = arith.constant 0 : i32
      %dma_start3A_46 = tpu.memref_slice %arg10[%dma_start3A_44, %dma_start3A_45] : memref<128x128xf32, #tpu.memory_space<vmem>> -> memref<128x128xf32, #tpu.memory_space<vmem>>
      %dma_start3A_47 = arith.constant 0 : i32
      %dma_start3A_48 = tpu.memref_slice %arg12[%add3A_11, %dma_start3A_47] : memref<10112x128xf32, #tpu.memory_space<vmem_shared>> -> memref<128x128xf32, #tpu.memory_space<vmem_shared>>
      %dma_start3A_49 = arith.constant 0 : i32
      %dma_start3A_50 = tpu.memref_slice %arg12[%add3A_11, %dma_start3A_49] : memref<10112x128xf32, #tpu.memory_space<vmem_shared>> -> memref<128x128xf32, #tpu.memory_space<vmem_shared>>
      %dma_start3A_51 = arith.constant 0 : i32
      %dma_start3A_52 = arith.constant 0 : i32
      %dma_start3A_53 = tpu.memref_slice %arg10[%dma_start3A_51, %dma_start3A_52] : memref<128x128xf32, #tpu.memory_space<vmem>> -> memref<128x128xf32, #tpu.memory_space<vmem>>
      tpu.enqueue_dma source(%dma_start3A_53 : memref<128x128xf32, #tpu.memory_space<vmem>>) target(%dma_start3A_50 : memref<128x128xf32, #tpu.memory_space<vmem_shared>>) target_semaphore(%run_scoped3A_43 : memref<!tpu.dma_semaphore, #tpu.memory_space<semaphore_mem>>)
      %dma_wait3A_54 = arith.constant 0 : i32
      %dma_wait3A_55 = arith.constant 0 : i32
      %dma_wait3A_56 = tpu.memref_slice %arg10[%dma_wait3A_54, %dma_wait3A_55] : memref<128x128xf32, #tpu.memory_space<vmem>> -> memref<128x128xf32, #tpu.memory_space<vmem>>
      %dma_wait3A_57 = arith.constant 0 : i32
      %dma_wait3A_58 = tpu.memref_slice %arg12[%add3A_11, %dma_wait3A_57] : memref<10112x128xf32, #tpu.memory_space<vmem_shared>> -> memref<128x128xf32, #tpu.memory_space<vmem_shared>>
      %dma_wait3A_59 = arith.constant 0 : i32
      %dma_wait3A_60 = tpu.memref_slice %arg12[%add3A_11, %dma_wait3A_59] : memref<10112x128xf32, #tpu.memory_space<vmem_shared>> -> memref<128x128xf32, #tpu.memory_space<vmem_shared>>
      %dma_wait3A_61 = arith.constant 0 : i32
      %dma_wait3A_62 = arith.constant 0 : i32
      %dma_wait3A_63 = tpu.memref_slice %arg10[%dma_wait3A_61, %dma_wait3A_62] : memref<128x128xf32, #tpu.memory_space<vmem>> -> memref<128x128xf32, #tpu.memory_space<vmem>>
      tpu.wait_dma2 semaphore(%run_scoped3A_43 : memref<!tpu.dma_semaphore, #tpu.memory_space<semaphore_mem>>) src(%dma_wait3A_63 : memref<128x128xf32, #tpu.memory_space<vmem>>) dst(%dma_wait3A_60 : memref<128x128xf32, #tpu.memory_space<vmem_shared>>)
      tpu.yield
    }) : () -> ()
    %add3A_12 = arith.constant 384 : i32
    %add3A_13 = arith.addi %mul3A_0, %add3A_12 : i32
    "tpu.region"() ({
      %run_scoped3A_43 = tpu.sem_alloc : memref<!tpu.dma_semaphore, #tpu.memory_space<semaphore_mem>>
      %dma_start3A_44 = arith.constant 0 : i32
      %dma_start3A_45 = arith.constant 0 : i32
      %dma_start3A_46 = tpu.memref_slice %arg10[%dma_start3A_44, %dma_start3A_45] : memref<128x128xf32, #tpu.memory_space<vmem>> -> memref<128x128xf32, #tpu.memory_space<vmem>>
      %dma_start3A_47 = arith.constant 0 : i32
      %dma_start3A_48 = tpu.memref_slice %arg12[%add3A_13, %dma_start3A_47] : memref<10112x128xf32, #tpu.memory_space<vmem_shared>> -> memref<128x128xf32, #tpu.memory_space<vmem_shared>>
      %dma_start3A_49 = arith.constant 0 : i32
      %dma_start3A_50 = tpu.memref_slice %arg12[%add3A_13, %dma_start3A_49] : memref<10112x128xf32, #tpu.memory_space<vmem_shared>> -> memref<128x128xf32, #tpu.memory_space<vmem_shared>>
      %dma_start3A_51 = arith.constant 0 : i32
      %dma_start3A_52 = arith.constant 0 : i32
      %dma_start3A_53 = tpu.memref_slice %arg10[%dma_start3A_51, %dma_start3A_52] : memref<128x128xf32, #tpu.memory_space<vmem>> -> memref<128x128xf32, #tpu.memory_space<vmem>>
      tpu.enqueue_dma source(%dma_start3A_53 : memref<128x128xf32, #tpu.memory_space<vmem>>) target(%dma_start3A_50 : memref<128x128xf32, #tpu.memory_space<vmem_shared>>) target_semaphore(%run_scoped3A_43 : memref<!tpu.dma_semaphore, #tpu.memory_space<semaphore_mem>>)
      %dma_wait3A_54 = arith.constant 0 : i32
      %dma_wait3A_55 = arith.constant 0 : i32
      %dma_wait3A_56 = tpu.memref_slice %arg10[%dma_wait3A_54, %dma_wait3A_55] : memref<128x128xf32, #tpu.memory_space<vmem>> -> memref<128x128xf32, #tpu.memory_space<vmem>>
      %dma_wait3A_57 = arith.constant 0 : i32
      %dma_wait3A_58 = tpu.memref_slice %arg12[%add3A_13, %dma_wait3A_57] : memref<10112x128xf32, #tpu.memory_space<vmem_shared>> -> memref<128x128xf32, #tpu.memory_space<vmem_shared>>
      %dma_wait3A_59 = arith.constant 0 : i32
      %dma_wait3A_60 = tpu.memref_slice %arg12[%add3A_13, %dma_wait3A_59] : memref<10112x128xf32, #tpu.memory_space<vmem_shared>> -> memref<128x128xf32, #tpu.memory_space<vmem_shared>>
      %dma_wait3A_61 = arith.constant 0 : i32
      %dma_wait3A_62 = arith.constant 0 : i32
      %dma_wait3A_63 = tpu.memref_slice %arg10[%dma_wait3A_61, %dma_wait3A_62] : memref<128x128xf32, #tpu.memory_space<vmem>> -> memref<128x128xf32, #tpu.memory_space<vmem>>
      tpu.wait_dma2 semaphore(%run_scoped3A_43 : memref<!tpu.dma_semaphore, #tpu.memory_space<semaphore_mem>>) src(%dma_wait3A_63 : memref<128x128xf32, #tpu.memory_space<vmem>>) dst(%dma_wait3A_60 : memref<128x128xf32, #tpu.memory_space<vmem_shared>>)
      tpu.yield
    }) : () -> ()
    %add3A_14 = arith.constant 512 : i32
    %add3A_15 = arith.addi %mul3A_0, %add3A_14 : i32
    "tpu.region"() ({
      %run_scoped3A_43 = tpu.sem_alloc : memref<!tpu.dma_semaphore, #tpu.memory_space<semaphore_mem>>
      %dma_start3A_44 = arith.constant 0 : i32
      %dma_start3A_45 = arith.constant 0 : i32
      %dma_start3A_46 = tpu.memref_slice %arg10[%dma_start3A_44, %dma_start3A_45] : memref<128x128xf32, #tpu.memory_space<vmem>> -> memref<120x128xf32, #tpu.memory_space<vmem>>
      %dma_start3A_47 = arith.constant 0 : i32
      %dma_start3A_48 = tpu.memref_slice %arg12[%add3A_15, %dma_start3A_47] : memref<10112x128xf32, #tpu.memory_space<vmem_shared>> -> memref<120x128xf32, #tpu.memory_space<vmem_shared>>
      %dma_start3A_49 = arith.constant 0 : i32
      %dma_start3A_50 = tpu.memref_slice %arg12[%add3A_15, %dma_start3A_49] : memref<10112x128xf32, #tpu.memory_space<vmem_shared>> -> memref<120x128xf32, #tpu.memory_space<vmem_shared>>
      %dma_start3A_51 = arith.constant 0 : i32
      %dma_start3A_52 = arith.constant 0 : i32
      %dma_start3A_53 = tpu.memref_slice %arg10[%dma_start3A_51, %dma_start3A_52] : memref<128x128xf32, #tpu.memory_space<vmem>> -> memref<120x128xf32, #tpu.memory_space<vmem>>
      tpu.enqueue_dma source(%dma_start3A_53 : memref<120x128xf32, #tpu.memory_space<vmem>>) target(%dma_start3A_50 : memref<120x128xf32, #tpu.memory_space<vmem_shared>>) target_semaphore(%run_scoped3A_43 : memref<!tpu.dma_semaphore, #tpu.memory_space<semaphore_mem>>)
      %dma_wait3A_54 = arith.constant 0 : i32
      %dma_wait3A_55 = arith.constant 0 : i32
      %dma_wait3A_56 = tpu.memref_slice %arg10[%dma_wait3A_54, %dma_wait3A_55] : memref<128x128xf32, #tpu.memory_space<vmem>> -> memref<120x128xf32, #tpu.memory_space<vmem>>
      %dma_wait3A_57 = arith.constant 0 : i32
      %dma_wait3A_58 = tpu.memref_slice %arg12[%add3A_15, %dma_wait3A_57] : memref<10112x128xf32, #tpu.memory_space<vmem_shared>> -> memref<120x128xf32, #tpu.memory_space<vmem_shared>>
      %dma_wait3A_59 = arith.constant 0 : i32
      %dma_wait3A_60 = tpu.memref_slice %arg12[%add3A_15, %dma_wait3A_59] : memref<10112x128xf32, #tpu.memory_space<vmem_shared>> -> memref<120x128xf32, #tpu.memory_space<vmem_shared>>
      %dma_wait3A_61 = arith.constant 0 : i32
      %dma_wait3A_62 = arith.constant 0 : i32
      %dma_wait3A_63 = tpu.memref_slice %arg10[%dma_wait3A_61, %dma_wait3A_62] : memref<128x128xf32, #tpu.memory_space<vmem>> -> memref<120x128xf32, #tpu.memory_space<vmem>>
      tpu.wait_dma2 semaphore(%run_scoped3A_43 : memref<!tpu.dma_semaphore, #tpu.memory_space<semaphore_mem>>) src(%dma_wait3A_63 : memref<120x128xf32, #tpu.memory_space<vmem>>) dst(%dma_wait3A_60 : memref<120x128xf32, #tpu.memory_space<vmem_shared>>)
      tpu.yield
    }) : () -> ()
    %barrier3A = arith.constant 0 : index
    tpu.barrier barrier_id(%barrier3A)
    %mul3A_16 = arith.constant 2 : i32
    %mul3A_17 = arith.muli %arg1, %mul3A_16 : i32
    %add3A_18 = arith.addi %mul3A_17, %arg0 : i32
    %mul3A_19 = arith.constant 79 : i32
    %mul3A_20 = arith.muli %mul3A_19, %add3A_18 : i32
    %add3A_21 = arith.constant 0 : i32
    %add3A_22 = arith.addi %mul3A_20, %add3A_21 : i32
    "tpu.region"() ({
      %run_scoped3A_43 = tpu.sem_alloc : memref<!tpu.dma_semaphore, #tpu.memory_space<semaphore_mem>>
      %dma_start3A_44 = arith.constant 0 : i32
      %dma_start3A_45 = arith.constant 0 : i32
      %dma_start3A_46 = tpu.memref_slice %arg2[%add3A_22, %dma_start3A_44, %dma_start3A_45] : memref<2528x1x128xi32, #tpu.memory_space<hbm>> -> memref<1x1x128xi32, #tpu.memory_space<hbm>>
      %dma_start3A_47 = tpu.memref_squeeze %dma_start3A_46 : memref<1x1x128xi32, #tpu.memory_space<hbm>> -> memref<1x128xi32, #tpu.memory_space<hbm>>
      %dma_start3A_48 = arith.constant 0 : i32
      %dma_start3A_49 = arith.constant 0 : i32
      %dma_start3A_50 = tpu.memref_slice %arg2[%add3A_22, %dma_start3A_48, %dma_start3A_49] : memref<2528x1x128xi32, #tpu.memory_space<hbm>> -> memref<1x1x128xi32, #tpu.memory_space<hbm>>
      %dma_start3A_51 = tpu.memref_squeeze %dma_start3A_50 : memref<1x1x128xi32, #tpu.memory_space<hbm>> -> memref<1x128xi32, #tpu.memory_space<hbm>>
      tpu.enqueue_dma source(%dma_start3A_51 : memref<1x128xi32, #tpu.memory_space<hbm>>) target(%arg6 : memref<1x128xi32, #tpu.memory_space<vmem>>) target_semaphore(%run_scoped3A_43 : memref<!tpu.dma_semaphore, #tpu.memory_space<semaphore_mem>>)
      %dma_wait3A_52 = arith.constant 0 : i32
      %dma_wait3A_53 = arith.constant 0 : i32
      %dma_wait3A_54 = tpu.memref_slice %arg2[%add3A_22, %dma_wait3A_52, %dma_wait3A_53] : memref<2528x1x128xi32, #tpu.memory_space<hbm>> -> memref<1x1x128xi32, #tpu.memory_space<hbm>>
      %dma_wait3A_55 = tpu.memref_squeeze %dma_wait3A_54 : memref<1x1x128xi32, #tpu.memory_space<hbm>> -> memref<1x128xi32, #tpu.memory_space<hbm>>
      %dma_wait3A_56 = arith.constant 0 : i32
      %dma_wait3A_57 = arith.constant 0 : i32
      %dma_wait3A_58 = tpu.memref_slice %arg2[%add3A_22, %dma_wait3A_56, %dma_wait3A_57] : memref<2528x1x128xi32, #tpu.memory_space<hbm>> -> memref<1x1x128xi32, #tpu.memory_space<hbm>>
      %dma_wait3A_59 = tpu.memref_squeeze %dma_wait3A_58 : memref<1x1x128xi32, #tpu.memory_space<hbm>> -> memref<1x128xi32, #tpu.memory_space<hbm>>
      tpu.wait_dma2 semaphore(%run_scoped3A_43 : memref<!tpu.dma_semaphore, #tpu.memory_space<semaphore_mem>>) src(%dma_wait3A_59 : memref<1x128xi32, #tpu.memory_space<hbm>>) dst(%arg6 : memref<1x128xi32, #tpu.memory_space<vmem>>)
      tpu.yield
    }) : () -> ()
    "tpu.region"() ({
      %run_scoped3A_43 = tpu.sem_alloc : memref<!tpu.dma_semaphore, #tpu.memory_space<semaphore_mem>>
      %dma_start3A_44 = arith.constant 0 : i32
      %dma_start3A_45 = arith.constant 0 : i32
      %dma_start3A_46 = tpu.memref_slice %arg3[%add3A_22, %dma_start3A_44, %dma_start3A_45] : memref<2528x1x128xi32, #tpu.memory_space<hbm>> -> memref<1x1x128xi32, #tpu.memory_space<hbm>>
      %dma_start3A_47 = tpu.memref_squeeze %dma_start3A_46 : memref<1x1x128xi32, #tpu.memory_space<hbm>> -> memref<1x128xi32, #tpu.memory_space<hbm>>
      %dma_start3A_48 = arith.constant 0 : i32
      %dma_start3A_49 = arith.constant 0 : i32
      %dma_start3A_50 = tpu.memref_slice %arg3[%add3A_22, %dma_start3A_48, %dma_start3A_49] : memref<2528x1x128xi32, #tpu.memory_space<hbm>> -> memref<1x1x128xi32, #tpu.memory_space<hbm>>
      %dma_start3A_51 = tpu.memref_squeeze %dma_start3A_50 : memref<1x1x128xi32, #tpu.memory_space<hbm>> -> memref<1x128xi32, #tpu.memory_space<hbm>>
      tpu.enqueue_dma source(%dma_start3A_51 : memref<1x128xi32, #tpu.memory_space<hbm>>) target(%arg7 : memref<1x128xi32, #tpu.memory_space<vmem>>) target_semaphore(%run_scoped3A_43 : memref<!tpu.dma_semaphore, #tpu.memory_space<semaphore_mem>>)
      %dma_wait3A_52 = arith.constant 0 : i32
      %dma_wait3A_53 = arith.constant 0 : i32
      %dma_wait3A_54 = tpu.memref_slice %arg3[%add3A_22, %dma_wait3A_52, %dma_wait3A_53] : memref<2528x1x128xi32, #tpu.memory_space<hbm>> -> memref<1x1x128xi32, #tpu.memory_space<hbm>>
      %dma_wait3A_55 = tpu.memref_squeeze %dma_wait3A_54 : memref<1x1x128xi32, #tpu.memory_space<hbm>> -> memref<1x128xi32, #tpu.memory_space<hbm>>
      %dma_wait3A_56 = arith.constant 0 : i32
      %dma_wait3A_57 = arith.constant 0 : i32
      %dma_wait3A_58 = tpu.memref_slice %arg3[%add3A_22, %dma_wait3A_56, %dma_wait3A_57] : memref<2528x1x128xi32, #tpu.memory_space<hbm>> -> memref<1x1x128xi32, #tpu.memory_space<hbm>>
      %dma_wait3A_59 = tpu.memref_squeeze %dma_wait3A_58 : memref<1x1x128xi32, #tpu.memory_space<hbm>> -> memref<1x128xi32, #tpu.memory_space<hbm>>
      tpu.wait_dma2 semaphore(%run_scoped3A_43 : memref<!tpu.dma_semaphore, #tpu.memory_space<semaphore_mem>>) src(%dma_wait3A_59 : memref<1x128xi32, #tpu.memory_space<hbm>>) dst(%arg7 : memref<1x128xi32, #tpu.memory_space<vmem>>)
      tpu.yield
    }) : () -> ()
    %dma_start3A = arith.constant 0 : i32
    %dma_start3A_23 = arith.constant 0 : i32
    %dma_start3A_24 = tpu.memref_slice %arg6[%dma_start3A, %dma_start3A_23] : memref<1x128xi32, #tpu.memory_space<vmem>> -> memref<1x128xi32, #tpu.memory_space<vmem>>
    %dma_start3A_25 = tpu.memref_squeeze %dma_start3A_24 : memref<1x128xi32, #tpu.memory_space<vmem>> -> memref<128xi32, #tpu.memory_space<vmem>>
    %dma_start3A_26 = arith.constant 0 : i32
    %dma_start3A_27 = arith.constant 0 : i32
    %dma_start3A_28 = tpu.memref_slice %arg4[%dma_start3A_26, %dma_start3A_27] : memref<10112x128xf32, #tpu.memory_space<hbm>> -> memref<10112x128xf32, #tpu.memory_space<hbm>>
    tpu.enqueue_indirect_dma source(%dma_start3A_28 : memref<10112x128xf32, #tpu.memory_space<hbm>>) target(%arg10 : memref<128x128xf32, #tpu.memory_space<vmem>>) offsets(%dma_start3A_25 : memref<128xi32, #tpu.memory_space<vmem>>) semaphore(%arg13 : memref<!tpu.dma_semaphore, #tpu.memory_space<semaphore_mem>>)
    %scan3A_29 = arith.constant 0 : i32
    %scan3A_30 = arith.constant 0 : i32
    %scan3A_31 = arith.constant 39 : i32
    %scan3A_32 = arith.addi %scan3A_30, %scan3A_31 : i32
    %scan3A_33 = arith.constant 1 : i32
    %scan3A_34 = scf.for %scan3A_43 = %scan3A_30 to %scan3A_32 step %scan3A_33 iter_args(%scan3A_44 = %scan3A_29) -> (i32)  : i32 {
      %mul3A_45 = arith.constant 2 : i32
      %mul3A_46 = arith.muli %mul3A_45, %scan3A_43 : i32
      %add3A_47 = arith.constant 1 : i32
      %add3A_48 = arith.addi %mul3A_46, %add3A_47 : i32
      %mul3A_49 = arith.constant 2 : i32
      %mul3A_50 = arith.muli %mul3A_49, %scan3A_43 : i32
      %add3A_51 = arith.constant 2 : i32
      %add3A_52 = arith.addi %mul3A_50, %add3A_51 : i32
      %mul3A_53 = arith.constant 79 : i32
      %mul3A_54 = arith.muli %mul3A_53, %add3A_18 : i32
      %add3A_55 = arith.addi %mul3A_54, %add3A_48 : i32
      "tpu.region"() ({
        %run_scoped3A_90 = tpu.sem_alloc : memref<!tpu.dma_semaphore, #tpu.memory_space<semaphore_mem>>
        %dma_start3A_91 = arith.constant 0 : i32
        %dma_start3A_92 = arith.constant 0 : i32
        %dma_start3A_93 = tpu.memref_slice %arg2[%add3A_55, %dma_start3A_91, %dma_start3A_92] : memref<2528x1x128xi32, #tpu.memory_space<hbm>> -> memref<1x1x128xi32, #tpu.memory_space<hbm>>
        %dma_start3A_94 = tpu.memref_squeeze %dma_start3A_93 : memref<1x1x128xi32, #tpu.memory_space<hbm>> -> memref<1x128xi32, #tpu.memory_space<hbm>>
        %dma_start3A_95 = arith.constant 0 : i32
        %dma_start3A_96 = arith.constant 0 : i32
        %dma_start3A_97 = tpu.memref_slice %arg2[%add3A_55, %dma_start3A_95, %dma_start3A_96] : memref<2528x1x128xi32, #tpu.memory_space<hbm>> -> memref<1x1x128xi32, #tpu.memory_space<hbm>>
        %dma_start3A_98 = tpu.memref_squeeze %dma_start3A_97 : memref<1x1x128xi32, #tpu.memory_space<hbm>> -> memref<1x128xi32, #tpu.memory_space<hbm>>
        tpu.enqueue_dma source(%dma_start3A_98 : memref<1x128xi32, #tpu.memory_space<hbm>>) target(%arg8 : memref<1x128xi32, #tpu.memory_space<vmem>>) target_semaphore(%run_scoped3A_90 : memref<!tpu.dma_semaphore, #tpu.memory_space<semaphore_mem>>)
        %dma_wait3A_99 = arith.constant 0 : i32
        %dma_wait3A_100 = arith.constant 0 : i32
        %dma_wait3A_101 = tpu.memref_slice %arg2[%add3A_55, %dma_wait3A_99, %dma_wait3A_100] : memref<2528x1x128xi32, #tpu.memory_space<hbm>> -> memref<1x1x128xi32, #tpu.memory_space<hbm>>
        %dma_wait3A_102 = tpu.memref_squeeze %dma_wait3A_101 : memref<1x1x128xi32, #tpu.memory_space<hbm>> -> memref<1x128xi32, #tpu.memory_space<hbm>>
        %dma_wait3A_103 = arith.constant 0 : i32
        %dma_wait3A_104 = arith.constant 0 : i32
        %dma_wait3A_105 = tpu.memref_slice %arg2[%add3A_55, %dma_wait3A_103, %dma_wait3A_104] : memref<2528x1x128xi32, #tpu.memory_space<hbm>> -> memref<1x1x128xi32, #tpu.memory_space<hbm>>
        %dma_wait3A_106 = tpu.memref_squeeze %dma_wait3A_105 : memref<1x1x128xi32, #tpu.memory_space<hbm>> -> memref<1x128xi32, #tpu.memory_space<hbm>>
        tpu.wait_dma2 semaphore(%run_scoped3A_90 : memref<!tpu.dma_semaphore, #tpu.memory_space<semaphore_mem>>) src(%dma_wait3A_106 : memref<1x128xi32, #tpu.memory_space<hbm>>) dst(%arg8 : memref<1x128xi32, #tpu.memory_space<vmem>>)
        tpu.yield
      }) : () -> ()
      "tpu.region"() ({
        %run_scoped3A_90 = tpu.sem_alloc : memref<!tpu.dma_semaphore, #tpu.memory_space<semaphore_mem>>
        %dma_start3A_91 = arith.constant 0 : i32
        %dma_start3A_92 = arith.constant 0 : i32
        %dma_start3A_93 = tpu.memref_slice %arg3[%add3A_55, %dma_start3A_91, %dma_start3A_92] : memref<2528x1x128xi32, #tpu.memory_space<hbm>> -> memref<1x1x128xi32, #tpu.memory_space<hbm>>
        %dma_start3A_94 = tpu.memref_squeeze %dma_start3A_93 : memref<1x1x128xi32, #tpu.memory_space<hbm>> -> memref<1x128xi32, #tpu.memory_space<hbm>>
        %dma_start3A_95 = arith.constant 0 : i32
        %dma_start3A_96 = arith.constant 0 : i32
        %dma_start3A_97 = tpu.memref_slice %arg3[%add3A_55, %dma_start3A_95, %dma_start3A_96] : memref<2528x1x128xi32, #tpu.memory_space<hbm>> -> memref<1x1x128xi32, #tpu.memory_space<hbm>>
        %dma_start3A_98 = tpu.memref_squeeze %dma_start3A_97 : memref<1x1x128xi32, #tpu.memory_space<hbm>> -> memref<1x128xi32, #tpu.memory_space<hbm>>
        tpu.enqueue_dma source(%dma_start3A_98 : memref<1x128xi32, #tpu.memory_space<hbm>>) target(%arg9 : memref<1x128xi32, #tpu.memory_space<vmem>>) target_semaphore(%run_scoped3A_90 : memref<!tpu.dma_semaphore, #tpu.memory_space<semaphore_mem>>)
        %dma_wait3A_99 = arith.constant 0 : i32
        %dma_wait3A_100 = arith.constant 0 : i32
        %dma_wait3A_101 = tpu.memref_slice %arg3[%add3A_55, %dma_wait3A_99, %dma_wait3A_100] : memref<2528x1x128xi32, #tpu.memory_space<hbm>> -> memref<1x1x128xi32, #tpu.memory_space<hbm>>
        %dma_wait3A_102 = tpu.memref_squeeze %dma_wait3A_101 : memref<1x1x128xi32, #tpu.memory_space<hbm>> -> memref<1x128xi32, #tpu.memory_space<hbm>>
        %dma_wait3A_103 = arith.constant 0 : i32
        %dma_wait3A_104 = arith.constant 0 : i32
        %dma_wait3A_105 = tpu.memref_slice %arg3[%add3A_55, %dma_wait3A_103, %dma_wait3A_104] : memref<2528x1x128xi32, #tpu.memory_space<hbm>> -> memref<1x1x128xi32, #tpu.memory_space<hbm>>
        %dma_wait3A_106 = tpu.memref_squeeze %dma_wait3A_105 : memref<1x1x128xi32, #tpu.memory_space<hbm>> -> memref<1x128xi32, #tpu.memory_space<hbm>>
        tpu.wait_dma2 semaphore(%run_scoped3A_90 : memref<!tpu.dma_semaphore, #tpu.memory_space<semaphore_mem>>) src(%dma_wait3A_106 : memref<1x128xi32, #tpu.memory_space<hbm>>) dst(%arg9 : memref<1x128xi32, #tpu.memory_space<vmem>>)
        tpu.yield
      }) : () -> ()
      %dma_start3A_56 = arith.constant 0 : i32
      %dma_start3A_57 = arith.constant 0 : i32
      %dma_start3A_58 = tpu.memref_slice %arg8[%dma_start3A_56, %dma_start3A_57] : memref<1x128xi32, #tpu.memory_space<vmem>> -> memref<1x128xi32, #tpu.memory_space<vmem>>
      %dma_start3A_59 = tpu.memref_squeeze %dma_start3A_58 : memref<1x128xi32, #tpu.memory_space<vmem>> -> memref<128xi32, #tpu.memory_space<vmem>>
      %dma_start3A_60 = arith.constant 0 : i32
      %dma_start3A_61 = arith.constant 0 : i32
      %dma_start3A_62 = tpu.memref_slice %arg4[%dma_start3A_60, %dma_start3A_61] : memref<10112x128xf32, #tpu.memory_space<hbm>> -> memref<10112x128xf32, #tpu.memory_space<hbm>>
      tpu.enqueue_indirect_dma source(%dma_start3A_62 : memref<10112x128xf32, #tpu.memory_space<hbm>>) target(%arg11 : memref<128x128xf32, #tpu.memory_space<vmem>>) offsets(%dma_start3A_59 : memref<128xi32, #tpu.memory_space<vmem>>) semaphore(%arg14 : memref<!tpu.dma_semaphore, #tpu.memory_space<semaphore_mem>>)
      %dma_wait3A_63 = arith.constant 0 : i32
      %dma_wait3A_64 = arith.constant 0 : i32
      %dma_wait3A_65 = tpu.memref_slice %arg6[%dma_wait3A_63, %dma_wait3A_64] : memref<1x128xi32, #tpu.memory_space<vmem>> -> memref<1x128xi32, #tpu.memory_space<vmem>>
      %dma_wait3A_66 = tpu.memref_squeeze %dma_wait3A_65 : memref<1x128xi32, #tpu.memory_space<vmem>> -> memref<128xi32, #tpu.memory_space<vmem>>
      %dma_wait3A_67 = arith.constant 0 : i32
      %dma_wait3A_68 = arith.constant 0 : i32
      %dma_wait3A_69 = tpu.memref_slice %arg4[%dma_wait3A_67, %dma_wait3A_68] : memref<10112x128xf32, #tpu.memory_space<hbm>> -> memref<10112x128xf32, #tpu.memory_space<hbm>>
      tpu.wait_indirect_dma semaphore(%arg13 : memref<!tpu.dma_semaphore, #tpu.memory_space<semaphore_mem>>) src(%dma_wait3A_69 : memref<10112x128xf32, #tpu.memory_space<hbm>>) dst(%arg10 : memref<128x128xf32, #tpu.memory_space<vmem>>)
      %run_scoped3A_70 = arith.constant 0 : i32
      "tpu.region"() ({
        %run_scoped3A_90 = tpu.sem_alloc : memref<!tpu.dma_semaphore, #tpu.memory_space<semaphore_mem>>
        %dma_start3A_91 = arith.constant 0 : i32
        %dma_start3A_92 = tpu.memref_slice %arg7[%run_scoped3A_70, %dma_start3A_91] : memref<1x128xi32, #tpu.memory_space<vmem>> -> memref<1x128xi32, #tpu.memory_space<vmem>>
        %dma_start3A_93 = tpu.memref_squeeze %dma_start3A_92 : memref<1x128xi32, #tpu.memory_space<vmem>> -> memref<128xi32, #tpu.memory_space<vmem>>
        %dma_start3A_94 = arith.constant 0 : i32
        %dma_start3A_95 = arith.constant 0 : i32
        %dma_start3A_96 = tpu.memref_slice %arg12[%dma_start3A_94, %dma_start3A_95] : memref<10112x128xf32, #tpu.memory_space<vmem_shared>> -> memref<10112x128xf32, #tpu.memory_space<vmem_shared>>
        tpu.enqueue_indirect_dma source(%arg10 : memref<128x128xf32, #tpu.memory_space<vmem>>) target(%dma_start3A_96 : memref<10112x128xf32, #tpu.memory_space<vmem_shared>>) offsets(%dma_start3A_93 : memref<128xi32, #tpu.memory_space<vmem>>) semaphore(%run_scoped3A_90 : memref<!tpu.dma_semaphore, #tpu.memory_space<semaphore_mem>>) {add = true}
        %dma_wait3A_97 = arith.constant 0 : i32
        %dma_wait3A_98 = tpu.memref_slice %arg7[%run_scoped3A_70, %dma_wait3A_97] : memref<1x128xi32, #tpu.memory_space<vmem>> -> memref<1x128xi32, #tpu.memory_space<vmem>>
        %dma_wait3A_99 = tpu.memref_squeeze %dma_wait3A_98 : memref<1x128xi32, #tpu.memory_space<vmem>> -> memref<128xi32, #tpu.memory_space<vmem>>
        %dma_wait3A_100 = arith.constant 0 : i32
        %dma_wait3A_101 = arith.constant 0 : i32
        %dma_wait3A_102 = tpu.memref_slice %arg12[%dma_wait3A_100, %dma_wait3A_101] : memref<10112x128xf32, #tpu.memory_space<vmem_shared>> -> memref<10112x128xf32, #tpu.memory_space<vmem_shared>>
        tpu.wait_indirect_dma semaphore(%run_scoped3A_90 : memref<!tpu.dma_semaphore, #tpu.memory_space<semaphore_mem>>) src(%arg10 : memref<128x128xf32, #tpu.memory_space<vmem>>) dst(%dma_wait3A_102 : memref<10112x128xf32, #tpu.memory_space<vmem_shared>>)
        tpu.yield
      }) : () -> ()
      %mul3A_71 = arith.constant 79 : i32
      %mul3A_72 = arith.muli %mul3A_71, %add3A_18 : i32
      %add3A_73 = arith.addi %mul3A_72, %add3A_52 : i32
      "tpu.region"() ({
        %run_scoped3A_90 = tpu.sem_alloc : memref<!tpu.dma_semaphore, #tpu.memory_space<semaphore_mem>>
        %dma_start3A_91 = arith.constant 0 : i32
        %dma_start3A_92 = arith.constant 0 : i32
        %dma_start3A_93 = tpu.memref_slice %arg2[%add3A_73, %dma_start3A_91, %dma_start3A_92] : memref<2528x1x128xi32, #tpu.memory_space<hbm>> -> memref<1x1x128xi32, #tpu.memory_space<hbm>>
        %dma_start3A_94 = tpu.memref_squeeze %dma_start3A_93 : memref<1x1x128xi32, #tpu.memory_space<hbm>> -> memref<1x128xi32, #tpu.memory_space<hbm>>
        %dma_start3A_95 = arith.constant 0 : i32
        %dma_start3A_96 = arith.constant 0 : i32
        %dma_start3A_97 = tpu.memref_slice %arg2[%add3A_73, %dma_start3A_95, %dma_start3A_96] : memref<2528x1x128xi32, #tpu.memory_space<hbm>> -> memref<1x1x128xi32, #tpu.memory_space<hbm>>
        %dma_start3A_98 = tpu.memref_squeeze %dma_start3A_97 : memref<1x1x128xi32, #tpu.memory_space<hbm>> -> memref<1x128xi32, #tpu.memory_space<hbm>>
        tpu.enqueue_dma source(%dma_start3A_98 : memref<1x128xi32, #tpu.memory_space<hbm>>) target(%arg6 : memref<1x128xi32, #tpu.memory_space<vmem>>) target_semaphore(%run_scoped3A_90 : memref<!tpu.dma_semaphore, #tpu.memory_space<semaphore_mem>>)
        %dma_wait3A_99 = arith.constant 0 : i32
        %dma_wait3A_100 = arith.constant 0 : i32
        %dma_wait3A_101 = tpu.memref_slice %arg2[%add3A_73, %dma_wait3A_99, %dma_wait3A_100] : memref<2528x1x128xi32, #tpu.memory_space<hbm>> -> memref<1x1x128xi32, #tpu.memory_space<hbm>>
        %dma_wait3A_102 = tpu.memref_squeeze %dma_wait3A_101 : memref<1x1x128xi32, #tpu.memory_space<hbm>> -> memref<1x128xi32, #tpu.memory_space<hbm>>
        %dma_wait3A_103 = arith.constant 0 : i32
        %dma_wait3A_104 = arith.constant 0 : i32
        %dma_wait3A_105 = tpu.memref_slice %arg2[%add3A_73, %dma_wait3A_103, %dma_wait3A_104] : memref<2528x1x128xi32, #tpu.memory_space<hbm>> -> memref<1x1x128xi32, #tpu.memory_space<hbm>>
        %dma_wait3A_106 = tpu.memref_squeeze %dma_wait3A_105 : memref<1x1x128xi32, #tpu.memory_space<hbm>> -> memref<1x128xi32, #tpu.memory_space<hbm>>
        tpu.wait_dma2 semaphore(%run_scoped3A_90 : memref<!tpu.dma_semaphore, #tpu.memory_space<semaphore_mem>>) src(%dma_wait3A_106 : memref<1x128xi32, #tpu.memory_space<hbm>>) dst(%arg6 : memref<1x128xi32, #tpu.memory_space<vmem>>)
        tpu.yield
      }) : () -> ()
      "tpu.region"() ({
        %run_scoped3A_90 = tpu.sem_alloc : memref<!tpu.dma_semaphore, #tpu.memory_space<semaphore_mem>>
        %dma_start3A_91 = arith.constant 0 : i32
        %dma_start3A_92 = arith.constant 0 : i32
        %dma_start3A_93 = tpu.memref_slice %arg3[%add3A_73, %dma_start3A_91, %dma_start3A_92] : memref<2528x1x128xi32, #tpu.memory_space<hbm>> -> memref<1x1x128xi32, #tpu.memory_space<hbm>>
        %dma_start3A_94 = tpu.memref_squeeze %dma_start3A_93 : memref<1x1x128xi32, #tpu.memory_space<hbm>> -> memref<1x128xi32, #tpu.memory_space<hbm>>
        %dma_start3A_95 = arith.constant 0 : i32
        %dma_start3A_96 = arith.constant 0 : i32
        %dma_start3A_97 = tpu.memref_slice %arg3[%add3A_73, %dma_start3A_95, %dma_start3A_96] : memref<2528x1x128xi32, #tpu.memory_space<hbm>> -> memref<1x1x128xi32, #tpu.memory_space<hbm>>
        %dma_start3A_98 = tpu.memref_squeeze %dma_start3A_97 : memref<1x1x128xi32, #tpu.memory_space<hbm>> -> memref<1x128xi32, #tpu.memory_space<hbm>>
        tpu.enqueue_dma source(%dma_start3A_98 : memref<1x128xi32, #tpu.memory_space<hbm>>) target(%arg7 : memref<1x128xi32, #tpu.memory_space<vmem>>) target_semaphore(%run_scoped3A_90 : memref<!tpu.dma_semaphore, #tpu.memory_space<semaphore_mem>>)
        %dma_wait3A_99 = arith.constant 0 : i32
        %dma_wait3A_100 = arith.constant 0 : i32
        %dma_wait3A_101 = tpu.memref_slice %arg3[%add3A_73, %dma_wait3A_99, %dma_wait3A_100] : memref<2528x1x128xi32, #tpu.memory_space<hbm>> -> memref<1x1x128xi32, #tpu.memory_space<hbm>>
        %dma_wait3A_102 = tpu.memref_squeeze %dma_wait3A_101 : memref<1x1x128xi32, #tpu.memory_space<hbm>> -> memref<1x128xi32, #tpu.memory_space<hbm>>
        %dma_wait3A_103 = arith.constant 0 : i32
        %dma_wait3A_104 = arith.constant 0 : i32
        %dma_wait3A_105 = tpu.memref_slice %arg3[%add3A_73, %dma_wait3A_103, %dma_wait3A_104] : memref<2528x1x128xi32, #tpu.memory_space<hbm>> -> memref<1x1x128xi32, #tpu.memory_space<hbm>>
        %dma_wait3A_106 = tpu.memref_squeeze %dma_wait3A_105 : memref<1x1x128xi32, #tpu.memory_space<hbm>> -> memref<1x128xi32, #tpu.memory_space<hbm>>
        tpu.wait_dma2 semaphore(%run_scoped3A_90 : memref<!tpu.dma_semaphore, #tpu.memory_space<semaphore_mem>>) src(%dma_wait3A_106 : memref<1x128xi32, #tpu.memory_space<hbm>>) dst(%arg7 : memref<1x128xi32, #tpu.memory_space<vmem>>)
        tpu.yield
      }) : () -> ()
      %dma_start3A_74 = arith.constant 0 : i32
      %dma_start3A_75 = arith.constant 0 : i32
      %dma_start3A_76 = tpu.memref_slice %arg6[%dma_start3A_74, %dma_start3A_75] : memref<1x128xi32, #tpu.memory_space<vmem>> -> memref<1x128xi32, #tpu.memory_space<vmem>>
      %dma_start3A_77 = tpu.memref_squeeze %dma_start3A_76 : memref<1x128xi32, #tpu.memory_space<vmem>> -> memref<128xi32, #tpu.memory_space<vmem>>
      %dma_start3A_78 = arith.constant 0 : i32
      %dma_start3A_79 = arith.constant 0 : i32
      %dma_start3A_80 = tpu.memref_slice %arg4[%dma_start3A_78, %dma_start3A_79] : memref<10112x128xf32, #tpu.memory_space<hbm>> -> memref<10112x128xf32, #tpu.memory_space<hbm>>
      tpu.enqueue_indirect_dma source(%dma_start3A_80 : memref<10112x128xf32, #tpu.memory_space<hbm>>) target(%arg10 : memref<128x128xf32, #tpu.memory_space<vmem>>) offsets(%dma_start3A_77 : memref<128xi32, #tpu.memory_space<vmem>>) semaphore(%arg13 : memref<!tpu.dma_semaphore, #tpu.memory_space<semaphore_mem>>)
      %dma_wait3A_81 = arith.constant 0 : i32
      %dma_wait3A_82 = arith.constant 0 : i32
      %dma_wait3A_83 = tpu.memref_slice %arg8[%dma_wait3A_81, %dma_wait3A_82] : memref<1x128xi32, #tpu.memory_space<vmem>> -> memref<1x128xi32, #tpu.memory_space<vmem>>
      %dma_wait3A_84 = tpu.memref_squeeze %dma_wait3A_83 : memref<1x128xi32, #tpu.memory_space<vmem>> -> memref<128xi32, #tpu.memory_space<vmem>>
      %dma_wait3A_85 = arith.constant 0 : i32
      %dma_wait3A_86 = arith.constant 0 : i32
      %dma_wait3A_87 = tpu.memref_slice %arg4[%dma_wait3A_85, %dma_wait3A_86] : memref<10112x128xf32, #tpu.memory_space<hbm>> -> memref<10112x128xf32, #tpu.memory_space<hbm>>
      tpu.wait_indirect_dma semaphore(%arg14 : memref<!tpu.dma_semaphore, #tpu.memory_space<semaphore_mem>>) src(%dma_wait3A_87 : memref<10112x128xf32, #tpu.memory_space<hbm>>) dst(%arg11 : memref<128x128xf32, #tpu.memory_space<vmem>>)
      %run_scoped3A_88 = arith.constant 0 : i32
      "tpu.region"() ({
        %run_scoped3A_90 = tpu.sem_alloc : memref<!tpu.dma_semaphore, #tpu.memory_space<semaphore_mem>>
        %dma_start3A_91 = arith.constant 0 : i32
        %dma_start3A_92 = tpu.memref_slice %arg9[%run_scoped3A_88, %dma_start3A_91] : memref<1x128xi32, #tpu.memory_space<vmem>> -> memref<1x128xi32, #tpu.memory_space<vmem>>
        %dma_start3A_93 = tpu.memref_squeeze %dma_start3A_92 : memref<1x128xi32, #tpu.memory_space<vmem>> -> memref<128xi32, #tpu.memory_space<vmem>>
        %dma_start3A_94 = arith.constant 0 : i32
        %dma_start3A_95 = arith.constant 0 : i32
        %dma_start3A_96 = tpu.memref_slice %arg12[%dma_start3A_94, %dma_start3A_95] : memref<10112x128xf32, #tpu.memory_space<vmem_shared>> -> memref<10112x128xf32, #tpu.memory_space<vmem_shared>>
        tpu.enqueue_indirect_dma source(%arg11 : memref<128x128xf32, #tpu.memory_space<vmem>>) target(%dma_start3A_96 : memref<10112x128xf32, #tpu.memory_space<vmem_shared>>) offsets(%dma_start3A_93 : memref<128xi32, #tpu.memory_space<vmem>>) semaphore(%run_scoped3A_90 : memref<!tpu.dma_semaphore, #tpu.memory_space<semaphore_mem>>) {add = true}
        %dma_wait3A_97 = arith.constant 0 : i32
        %dma_wait3A_98 = tpu.memref_slice %arg9[%run_scoped3A_88, %dma_wait3A_97] : memref<1x128xi32, #tpu.memory_space<vmem>> -> memref<1x128xi32, #tpu.memory_space<vmem>>
        %dma_wait3A_99 = tpu.memref_squeeze %dma_wait3A_98 : memref<1x128xi32, #tpu.memory_space<vmem>> -> memref<128xi32, #tpu.memory_space<vmem>>
        %dma_wait3A_100 = arith.constant 0 : i32
        %dma_wait3A_101 = arith.constant 0 : i32
        %dma_wait3A_102 = tpu.memref_slice %arg12[%dma_wait3A_100, %dma_wait3A_101] : memref<10112x128xf32, #tpu.memory_space<vmem_shared>> -> memref<10112x128xf32, #tpu.memory_space<vmem_shared>>
        tpu.wait_indirect_dma semaphore(%run_scoped3A_90 : memref<!tpu.dma_semaphore, #tpu.memory_space<semaphore_mem>>) src(%arg11 : memref<128x128xf32, #tpu.memory_space<vmem>>) dst(%dma_wait3A_102 : memref<10112x128xf32, #tpu.memory_space<vmem_shared>>)
        tpu.yield
      }) : () -> ()
      %scan3A_89 = arith.constant 0 : i32
      scf.yield %scan3A_89 : i32
    }
    %scan3A_35 = arith.constant 39 : i32
    %dma_wait3A = arith.constant 0 : i32
    %dma_wait3A_36 = arith.constant 0 : i32
    %dma_wait3A_37 = tpu.memref_slice %arg6[%dma_wait3A, %dma_wait3A_36] : memref<1x128xi32, #tpu.memory_space<vmem>> -> memref<1x128xi32, #tpu.memory_space<vmem>>
    %dma_wait3A_38 = tpu.memref_squeeze %dma_wait3A_37 : memref<1x128xi32, #tpu.memory_space<vmem>> -> memref<128xi32, #tpu.memory_space<vmem>>
    %dma_wait3A_39 = arith.constant 0 : i32
    %dma_wait3A_40 = arith.constant 0 : i32
    %dma_wait3A_41 = tpu.memref_slice %arg4[%dma_wait3A_39, %dma_wait3A_40] : memref<10112x128xf32, #tpu.memory_space<hbm>> -> memref<10112x128xf32, #tpu.memory_space<hbm>>
    tpu.wait_indirect_dma semaphore(%arg13 : memref<!tpu.dma_semaphore, #tpu.memory_space<semaphore_mem>>) src(%dma_wait3A_41 : memref<10112x128xf32, #tpu.memory_space<hbm>>) dst(%arg10 : memref<128x128xf32, #tpu.memory_space<vmem>>)
    %run_scoped3A = arith.constant 0 : i32
    "tpu.region"() ({
      %run_scoped3A_43 = tpu.sem_alloc : memref<!tpu.dma_semaphore, #tpu.memory_space<semaphore_mem>>
      %dma_start3A_44 = arith.constant 0 : i32
      %dma_start3A_45 = tpu.memref_slice %arg7[%run_scoped3A, %dma_start3A_44] : memref<1x128xi32, #tpu.memory_space<vmem>> -> memref<1x128xi32, #tpu.memory_space<vmem>>
      %dma_start3A_46 = tpu.memref_squeeze %dma_start3A_45 : memref<1x128xi32, #tpu.memory_space<vmem>> -> memref<128xi32, #tpu.memory_space<vmem>>
      %dma_start3A_47 = arith.constant 0 : i32
      %dma_start3A_48 = arith.constant 0 : i32
      %dma_start3A_49 = tpu.memref_slice %arg12[%dma_start3A_47, %dma_start3A_48] : memref<10112x128xf32, #tpu.memory_space<vmem_shared>> -> memref<10112x128xf32, #tpu.memory_space<vmem_shared>>
      tpu.enqueue_indirect_dma source(%arg10 : memref<128x128xf32, #tpu.memory_space<vmem>>) target(%dma_start3A_49 : memref<10112x128xf32, #tpu.memory_space<vmem_shared>>) offsets(%dma_start3A_46 : memref<128xi32, #tpu.memory_space<vmem>>) semaphore(%run_scoped3A_43 : memref<!tpu.dma_semaphore, #tpu.memory_space<semaphore_mem>>) {add = true}
      %dma_wait3A_50 = arith.constant 0 : i32
      %dma_wait3A_51 = tpu.memref_slice %arg7[%run_scoped3A, %dma_wait3A_50] : memref<1x128xi32, #tpu.memory_space<vmem>> -> memref<1x128xi32, #tpu.memory_space<vmem>>
      %dma_wait3A_52 = tpu.memref_squeeze %dma_wait3A_51 : memref<1x128xi32, #tpu.memory_space<vmem>> -> memref<128xi32, #tpu.memory_space<vmem>>
      %dma_wait3A_53 = arith.constant 0 : i32
      %dma_wait3A_54 = arith.constant 0 : i32
      %dma_wait3A_55 = tpu.memref_slice %arg12[%dma_wait3A_53, %dma_wait3A_54] : memref<10112x128xf32, #tpu.memory_space<vmem_shared>> -> memref<10112x128xf32, #tpu.memory_space<vmem_shared>>
      tpu.wait_indirect_dma semaphore(%run_scoped3A_43 : memref<!tpu.dma_semaphore, #tpu.memory_space<semaphore_mem>>) src(%arg10 : memref<128x128xf32, #tpu.memory_space<vmem>>) dst(%dma_wait3A_55 : memref<10112x128xf32, #tpu.memory_space<vmem_shared>>)
      tpu.yield
    }) : () -> ()
    %barrier3A_42 = arith.constant 0 : index
    tpu.barrier barrier_id(%barrier3A_42)
    "tpu.region"() ({
      %run_scoped3A_43 = tpu.sem_alloc : memref<!tpu.dma_semaphore, #tpu.memory_space<semaphore_mem>>
      %dma_start3A_44 = arith.constant 0 : i32
      %dma_start3A_45 = tpu.memref_slice %arg5[%arg0, %mul3A_0, %dma_start3A_44] : memref<2x10112x128xf32, #tpu.memory_space<hbm>> -> memref<1x632x128xf32, #tpu.memory_space<hbm>>
      %dma_start3A_46 = tpu.memref_squeeze %dma_start3A_45 : memref<1x632x128xf32, #tpu.memory_space<hbm>> -> memref<632x128xf32, #tpu.memory_space<hbm>>
      %dma_start3A_47 = arith.constant 0 : i32
      %dma_start3A_48 = tpu.memref_slice %arg12[%mul3A_0, %dma_start3A_47] : memref<10112x128xf32, #tpu.memory_space<vmem_shared>> -> memref<632x128xf32, #tpu.memory_space<vmem_shared>>
      tpu.enqueue_dma source(%dma_start3A_48 : memref<632x128xf32, #tpu.memory_space<vmem_shared>>) target(%dma_start3A_46 : memref<632x128xf32, #tpu.memory_space<hbm>>) target_semaphore(%run_scoped3A_43 : memref<!tpu.dma_semaphore, #tpu.memory_space<semaphore_mem>>)
      %dma_wait3A_49 = arith.constant 0 : i32
      %dma_wait3A_50 = tpu.memref_slice %arg5[%arg0, %mul3A_0, %dma_wait3A_49] : memref<2x10112x128xf32, #tpu.memory_space<hbm>> -> memref<1x632x128xf32, #tpu.memory_space<hbm>>
      %dma_wait3A_51 = tpu.memref_squeeze %dma_wait3A_50 : memref<1x632x128xf32, #tpu.memory_space<hbm>> -> memref<632x128xf32, #tpu.memory_space<hbm>>
      %dma_wait3A_52 = arith.constant 0 : i32
      %dma_wait3A_53 = tpu.memref_slice %arg12[%mul3A_0, %dma_wait3A_52] : memref<10112x128xf32, #tpu.memory_space<vmem_shared>> -> memref<632x128xf32, #tpu.memory_space<vmem_shared>>
      tpu.wait_dma2 semaphore(%run_scoped3A_43 : memref<!tpu.dma_semaphore, #tpu.memory_space<semaphore_mem>>) src(%dma_wait3A_53 : memref<632x128xf32, #tpu.memory_space<vmem_shared>>) dst(%dma_wait3A_51 : memref<632x128xf32, #tpu.memory_space<hbm>>)
      tpu.yield
    }) : () -> ()
    return
  }
}

#map = affine_map<(d0, d1) -> (0, 0, 0)>
#map1 = affine_map<(d0, d1) -> (0, 0)>
module attributes {stable_mosaic.version = 14 : i64} {
  func.func @_msg_kernel(%arg0: i32, %arg1: i32, %arg2: memref<2528x1x128xi32, #tpu.memory_space<hbm>>, %arg3: memref<2528x1x128xi32, #tpu.memory_space<hbm>>, %arg4: memref<10112x128xf32, #tpu.memory_space<hbm>>, %arg5: memref<2x10112x128xf32, #tpu.memory_space<hbm>>, %arg6: memref<1x128xi32, #tpu.memory_space<vmem>>, %arg7: memref<1x128xi32, #tpu.memory_space<vmem>>, %arg8: memref<1x128xi32, #tpu.memory_space<vmem>>, %arg9: memref<1x128xi32, #tpu.memory_space<vmem>>, %arg10: memref<128x128xf32, #tpu.memory_space<vmem>>, %arg11: memref<128x128xf32, #tpu.memory_space<vmem>>, %arg12: memref<10112x128xf32, #tpu.memory_space<vmem_shared>>, %arg13: memref<!tpu.dma_semaphore, #tpu.memory_space<semaphore_mem>>, %arg14: memref<!tpu.dma_semaphore, #tpu.memory_space<semaphore_mem>>) attributes {dimension_semantics = [#tpu.dimension_semantics<core_parallel>, #tpu.dimension_semantics<subcore_parallel>], iteration_bounds = array<i64: 2, 16>, scalar_prefetch = 0 : i64, scratch_operands = 9 : i64, tpu.core_type = #tpu.core_type<sc_vector_subcore>, window_params = [{transform_indices = #map}, {transform_indices = #map}, {transform_indices = #map1}, {transform_indices = #map}]} {
    %mul3A = arith.constant 632 : i32
    %mul3A_0 = arith.muli %arg1, %mul3A : i32
    %scan3A = arith.constant 0 : i32
    %scan3A_1 = arith.constant 0 : i32
    %scan3A_2 = arith.constant 1024 : i32
    %scan3A_3 = arith.addi %scan3A_1, %scan3A_2 : i32
    %scan3A_4 = arith.constant 1 : i32
    %scan3A_5 = scf.for %scan3A_43 = %scan3A_1 to %scan3A_3 step %scan3A_4 iter_args(%scan3A_44 = %scan3A) -> (i32)  : i32 {
      %broadcast_in_dim3A = arith.constant 0.000000e+00 : f32
      %broadcast_in_dim3A_45 = vector.broadcast %broadcast_in_dim3A : f32 to vector<16xf32>
      %jit3A = arith.constant 8 : i32
      %div3A = arith.divsi %scan3A_43, %jit3A : i32
      %sign3A = arith.constant 0 : i32
      %sign3A_46 = arith.cmpi sgt, %scan3A_43, %sign3A : i32
      %sign3A_47 = arith.extui %sign3A_46 : i1 to i32
      %sign3A_48 = arith.constant 0 : i32
      %sign3A_49 = arith.cmpi slt, %scan3A_43, %sign3A_48 : i32
      %sign3A_50 = arith.extui %sign3A_49 : i1 to i32
      %sign3A_51 = arith.subi %sign3A_47, %sign3A_50 : i32
      %sign3A_52 = arith.constant 0 : i32
      %sign3A_53 = arith.cmpi sgt, %jit3A, %sign3A_52 : i32
      %sign3A_54 = arith.extui %sign3A_53 : i1 to i32
      %sign3A_55 = arith.constant 0 : i32
      %sign3A_56 = arith.cmpi slt, %jit3A, %sign3A_55 : i32
      %sign3A_57 = arith.extui %sign3A_56 : i1 to i32
      %sign3A_58 = arith.subi %sign3A_54, %sign3A_57 : i32
      %ne3A = arith.cmpi ne, %sign3A_51, %sign3A_58 : i32
      %rem3A = arith.remsi %scan3A_43, %jit3A : i32
      %ne3A_59 = arith.constant 0 : i32
      %ne3A_60 = arith.cmpi ne, %rem3A, %ne3A_59 : i32
      %and3A = arith.andi %ne3A, %ne3A_60 : i1
      %sub3A = arith.constant 1 : i32
      %sub3A_61 = arith.subi %div3A, %sub3A : i32
      %select_n3A = arith.select %and3A, %sub3A_61, %div3A : i32
      %jit3A_62 = arith.constant 8 : i32
      %eq3A = arith.constant 0 : i32
      %eq3A_63 = arith.cmpi eq, %jit3A_62, %eq3A : i32
      %jit3A_64 = arith.constant 1 : i32
      %select_n3A_65 = arith.select %eq3A_63, %jit3A_64, %jit3A_62 : i32
      %rem3A_66 = arith.remsi %scan3A_43, %select_n3A_65 : i32
      %ne3A_67 = arith.constant 0 : i32
      %ne3A_68 = arith.cmpi ne, %rem3A_66, %ne3A_67 : i32
      %lt3A = arith.constant 0 : i32
      %lt3A_69 = arith.cmpi slt, %rem3A_66, %lt3A : i32
      %lt3A_70 = arith.constant 0 : i32
      %lt3A_71 = arith.cmpi slt, %select_n3A_65, %lt3A_70 : i32
      %ne3A_72 = arith.xori %lt3A_69, %lt3A_71 : i1
      %and3A_73 = arith.andi %ne3A_72, %ne3A_68 : i1
      %add3A_74 = arith.addi %rem3A_66, %select_n3A_65 : i32
      %select_n3A_75 = arith.select %and3A_73, %add3A_74, %rem3A_66 : i32
      %mul3A_76 = arith.constant 16 : i32
      %mul3A_77 = arith.muli %select_n3A_75, %mul3A_76 : i32
      %swap3A = arith.index_cast %select_n3A : i32 to index
      %swap3A_78 = arith.index_cast %mul3A_77 : i32 to index
      %swap3A_79 = tpu.vector_load %arg10[%swap3A, %swap3A_78] {strides = array<i32>} : memref<128x128xf32, #tpu.memory_space<vmem>>, vector<1x16xf32>,
      %swap3A_80 = vector.shape_cast %swap3A_79 : vector<1x16xf32> to vector<16xf32>
      %swap3A_81 = vector.shape_cast %broadcast_in_dim3A_45 : vector<16xf32> to vector<1x16xf32>
      tpu.vector_store %arg10[%swap3A, %swap3A_78], %swap3A_81 {strides = array<i32>} : memref<128x128xf32, #tpu.memory_space<vmem>>, vector<1x16xf32>,
      %scan3A_82 = arith.constant 0 : i32
      scf.yield %scan3A_82 : i32
    }
    %scan3A_6 = arith.constant 1024 : i32
    %add3A = arith.constant 0 : i32
    %add3A_7 = arith.addi %mul3A_0, %add3A : i32
    "tpu.region"() ({
      %run_scoped3A_43 = tpu.sem_alloc : memref<!tpu.dma_semaphore, #tpu.memory_space<semaphore_mem>>
      %dma_start3A_44 = arith.constant 0 : i32
      %dma_start3A_45 = arith.constant 0 : i32
      %dma_start3A_46 = tpu.memref_slice %arg10[%dma_start3A_44, %dma_start3A_45] : memref<128x128xf32, #tpu.memory_space<vmem>> -> memref<128x128xf32, #tpu.memory_space<vmem>>
      %dma_start3A_47 = arith.constant 0 : i32
      %dma_start3A_48 = tpu.memref_slice %arg12[%add3A_7, %dma_start3A_47] : memref<10112x128xf32, #tpu.memory_space<vmem_shared>> -> memref<128x128xf32, #tpu.memory_space<vmem_shared>>
      %dma_start3A_49 = arith.constant 0 : i32
      %dma_start3A_50 = tpu.memref_slice %arg12[%add3A_7, %dma_start3A_49] : memref<10112x128xf32, #tpu.memory_space<vmem_shared>> -> memref<128x128xf32, #tpu.memory_space<vmem_shared>>
      %dma_start3A_51 = arith.constant 0 : i32
      %dma_start3A_52 = arith.constant 0 : i32
      %dma_start3A_53 = tpu.memref_slice %arg10[%dma_start3A_51, %dma_start3A_52] : memref<128x128xf32, #tpu.memory_space<vmem>> -> memref<128x128xf32, #tpu.memory_space<vmem>>
      tpu.enqueue_dma source(%dma_start3A_53 : memref<128x128xf32, #tpu.memory_space<vmem>>) target(%dma_start3A_50 : memref<128x128xf32, #tpu.memory_space<vmem_shared>>) target_semaphore(%run_scoped3A_43 : memref<!tpu.dma_semaphore, #tpu.memory_space<semaphore_mem>>)
      %dma_wait3A_54 = arith.constant 0 : i32
      %dma_wait3A_55 = arith.constant 0 : i32
      %dma_wait3A_56 = tpu.memref_slice %arg10[%dma_wait3A_54, %dma_wait3A_55] : memref<128x128xf32, #tpu.memory_space<vmem>> -> memref<128x128xf32, #tpu.memory_space<vmem>>
      %dma_wait3A_57 = arith.constant 0 : i32
      %dma_wait3A_58 = tpu.memref_slice %arg12[%add3A_7, %dma_wait3A_57] : memref<10112x128xf32, #tpu.memory_space<vmem_shared>> -> memref<128x128xf32, #tpu.memory_space<vmem_shared>>
      %dma_wait3A_59 = arith.constant 0 : i32
      %dma_wait3A_60 = tpu.memref_slice %arg12[%add3A_7, %dma_wait3A_59] : memref<10112x128xf32, #tpu.memory_space<vmem_shared>> -> memref<128x128xf32, #tpu.memory_space<vmem_shared>>
      %dma_wait3A_61 = arith.constant 0 : i32
      %dma_wait3A_62 = arith.constant 0 : i32
      %dma_wait3A_63 = tpu.memref_slice %arg10[%dma_wait3A_61, %dma_wait3A_62] : memref<128x128xf32, #tpu.memory_space<vmem>> -> memref<128x128xf32, #tpu.memory_space<vmem>>
      tpu.wait_dma2 semaphore(%run_scoped3A_43 : memref<!tpu.dma_semaphore, #tpu.memory_space<semaphore_mem>>) src(%dma_wait3A_63 : memref<128x128xf32, #tpu.memory_space<vmem>>) dst(%dma_wait3A_60 : memref<128x128xf32, #tpu.memory_space<vmem_shared>>)
      tpu.yield
    }) : () -> ()
    %add3A_8 = arith.constant 128 : i32
    %add3A_9 = arith.addi %mul3A_0, %add3A_8 : i32
    "tpu.region"() ({
      %run_scoped3A_43 = tpu.sem_alloc : memref<!tpu.dma_semaphore, #tpu.memory_space<semaphore_mem>>
      %dma_start3A_44 = arith.constant 0 : i32
      %dma_start3A_45 = arith.constant 0 : i32
      %dma_start3A_46 = tpu.memref_slice %arg10[%dma_start3A_44, %dma_start3A_45] : memref<128x128xf32, #tpu.memory_space<vmem>> -> memref<128x128xf32, #tpu.memory_space<vmem>>
      %dma_start3A_47 = arith.constant 0 : i32
      %dma_start3A_48 = tpu.memref_slice %arg12[%add3A_9, %dma_start3A_47] : memref<10112x128xf32, #tpu.memory_space<vmem_shared>> -> memref<128x128xf32, #tpu.memory_space<vmem_shared>>
      %dma_start3A_49 = arith.constant 0 : i32
      %dma_start3A_50 = tpu.memref_slice %arg12[%add3A_9, %dma_start3A_49] : memref<10112x128xf32, #tpu.memory_space<vmem_shared>> -> memref<128x128xf32, #tpu.memory_space<vmem_shared>>
      %dma_start3A_51 = arith.constant 0 : i32
      %dma_start3A_52 = arith.constant 0 : i32
      %dma_start3A_53 = tpu.memref_slice %arg10[%dma_start3A_51, %dma_start3A_52] : memref<128x128xf32, #tpu.memory_space<vmem>> -> memref<128x128xf32, #tpu.memory_space<vmem>>
      tpu.enqueue_dma source(%dma_start3A_53 : memref<128x128xf32, #tpu.memory_space<vmem>>) target(%dma_start3A_50 : memref<128x128xf32, #tpu.memory_space<vmem_shared>>) target_semaphore(%run_scoped3A_43 : memref<!tpu.dma_semaphore, #tpu.memory_space<semaphore_mem>>)
      %dma_wait3A_54 = arith.constant 0 : i32
      %dma_wait3A_55 = arith.constant 0 : i32
      %dma_wait3A_56 = tpu.memref_slice %arg10[%dma_wait3A_54, %dma_wait3A_55] : memref<128x128xf32, #tpu.memory_space<vmem>> -> memref<128x128xf32, #tpu.memory_space<vmem>>
      %dma_wait3A_57 = arith.constant 0 : i32
      %dma_wait3A_58 = tpu.memref_slice %arg12[%add3A_9, %dma_wait3A_57] : memref<10112x128xf32, #tpu.memory_space<vmem_shared>> -> memref<128x128xf32, #tpu.memory_space<vmem_shared>>
      %dma_wait3A_59 = arith.constant 0 : i32
      %dma_wait3A_60 = tpu.memref_slice %arg12[%add3A_9, %dma_wait3A_59] : memref<10112x128xf32, #tpu.memory_space<vmem_shared>> -> memref<128x128xf32, #tpu.memory_space<vmem_shared>>
      %dma_wait3A_61 = arith.constant 0 : i32
      %dma_wait3A_62 = arith.constant 0 : i32
      %dma_wait3A_63 = tpu.memref_slice %arg10[%dma_wait3A_61, %dma_wait3A_62] : memref<128x128xf32, #tpu.memory_space<vmem>> -> memref<128x128xf32, #tpu.memory_space<vmem>>
      tpu.wait_dma2 semaphore(%run_scoped3A_43 : memref<!tpu.dma_semaphore, #tpu.memory_space<semaphore_mem>>) src(%dma_wait3A_63 : memref<128x128xf32, #tpu.memory_space<vmem>>) dst(%dma_wait3A_60 : memref<128x128xf32, #tpu.memory_space<vmem_shared>>)
      tpu.yield
    }) : () -> ()
    %add3A_10 = arith.constant 256 : i32
    %add3A_11 = arith.addi %mul3A_0, %add3A_10 : i32
    "tpu.region"() ({
      %run_scoped3A_43 = tpu.sem_alloc : memref<!tpu.dma_semaphore, #tpu.memory_space<semaphore_mem>>
      %dma_start3A_44 = arith.constant 0 : i32
      %dma_start3A_45 = arith.constant 0 : i32
      %dma_start3A_46 = tpu.memref_slice %arg10[%dma_start3A_44, %dma_start3A_45] : memref<128x128xf32, #tpu.memory_space<vmem>> -> memref<128x128xf32, #tpu.memory_space<vmem>>
      %dma_start3A_47 = arith.constant 0 : i32
      %dma_start3A_48 = tpu.memref_slice %arg12[%add3A_11, %dma_start3A_47] : memref<10112x128xf32, #tpu.memory_space<vmem_shared>> -> memref<128x128xf32, #tpu.memory_space<vmem_shared>>
      %dma_start3A_49 = arith.constant 0 : i32
      %dma_start3A_50 = tpu.memref_slice %arg12[%add3A_11, %dma_start3A_49] : memref<10112x128xf32, #tpu.memory_space<vmem_shared>> -> memref<128x128xf32, #tpu.memory_space<vmem_shared>>
      %dma_start3A_51 = arith.constant 0 : i32
      %dma_start3A_52 = arith.constant 0 : i32
      %dma_start3A_53 = tpu.memref_slice %arg10[%dma_start3A_51, %dma_start3A_52] : memref<128x128xf32, #tpu.memory_space<vmem>> -> memref<128x128xf32, #tpu.memory_space<vmem>>
      tpu.enqueue_dma source(%dma_start3A_53 : memref<128x128xf32, #tpu.memory_space<vmem>>) target(%dma_start3A_50 : memref<128x128xf32, #tpu.memory_space<vmem_shared>>) target_semaphore(%run_scoped3A_43 : memref<!tpu.dma_semaphore, #tpu.memory_space<semaphore_mem>>)
      %dma_wait3A_54 = arith.constant 0 : i32
      %dma_wait3A_55 = arith.constant 0 : i32
      %dma_wait3A_56 = tpu.memref_slice %arg10[%dma_wait3A_54, %dma_wait3A_55] : memref<128x128xf32, #tpu.memory_space<vmem>> -> memref<128x128xf32, #tpu.memory_space<vmem>>
      %dma_wait3A_57 = arith.constant 0 : i32
      %dma_wait3A_58 = tpu.memref_slice %arg12[%add3A_11, %dma_wait3A_57] : memref<10112x128xf32, #tpu.memory_space<vmem_shared>> -> memref<128x128xf32, #tpu.memory_space<vmem_shared>>
      %dma_wait3A_59 = arith.constant 0 : i32
      %dma_wait3A_60 = tpu.memref_slice %arg12[%add3A_11, %dma_wait3A_59] : memref<10112x128xf32, #tpu.memory_space<vmem_shared>> -> memref<128x128xf32, #tpu.memory_space<vmem_shared>>
      %dma_wait3A_61 = arith.constant 0 : i32
      %dma_wait3A_62 = arith.constant 0 : i32
      %dma_wait3A_63 = tpu.memref_slice %arg10[%dma_wait3A_61, %dma_wait3A_62] : memref<128x128xf32, #tpu.memory_space<vmem>> -> memref<128x128xf32, #tpu.memory_space<vmem>>
      tpu.wait_dma2 semaphore(%run_scoped3A_43 : memref<!tpu.dma_semaphore, #tpu.memory_space<semaphore_mem>>) src(%dma_wait3A_63 : memref<128x128xf32, #tpu.memory_space<vmem>>) dst(%dma_wait3A_60 : memref<128x128xf32, #tpu.memory_space<vmem_shared>>)
      tpu.yield
    }) : () -> ()
    %add3A_12 = arith.constant 384 : i32
    %add3A_13 = arith.addi %mul3A_0, %add3A_12 : i32
    "tpu.region"() ({
      %run_scoped3A_43 = tpu.sem_alloc : memref<!tpu.dma_semaphore, #tpu.memory_space<semaphore_mem>>
      %dma_start3A_44 = arith.constant 0 : i32
      %dma_start3A_45 = arith.constant 0 : i32
      %dma_start3A_46 = tpu.memref_slice %arg10[%dma_start3A_44, %dma_start3A_45] : memref<128x128xf32, #tpu.memory_space<vmem>> -> memref<128x128xf32, #tpu.memory_space<vmem>>
      %dma_start3A_47 = arith.constant 0 : i32
      %dma_start3A_48 = tpu.memref_slice %arg12[%add3A_13, %dma_start3A_47] : memref<10112x128xf32, #tpu.memory_space<vmem_shared>> -> memref<128x128xf32, #tpu.memory_space<vmem_shared>>
      %dma_start3A_49 = arith.constant 0 : i32
      %dma_start3A_50 = tpu.memref_slice %arg12[%add3A_13, %dma_start3A_49] : memref<10112x128xf32, #tpu.memory_space<vmem_shared>> -> memref<128x128xf32, #tpu.memory_space<vmem_shared>>
      %dma_start3A_51 = arith.constant 0 : i32
      %dma_start3A_52 = arith.constant 0 : i32
      %dma_start3A_53 = tpu.memref_slice %arg10[%dma_start3A_51, %dma_start3A_52] : memref<128x128xf32, #tpu.memory_space<vmem>> -> memref<128x128xf32, #tpu.memory_space<vmem>>
      tpu.enqueue_dma source(%dma_start3A_53 : memref<128x128xf32, #tpu.memory_space<vmem>>) target(%dma_start3A_50 : memref<128x128xf32, #tpu.memory_space<vmem_shared>>) target_semaphore(%run_scoped3A_43 : memref<!tpu.dma_semaphore, #tpu.memory_space<semaphore_mem>>)
      %dma_wait3A_54 = arith.constant 0 : i32
      %dma_wait3A_55 = arith.constant 0 : i32
      %dma_wait3A_56 = tpu.memref_slice %arg10[%dma_wait3A_54, %dma_wait3A_55] : memref<128x128xf32, #tpu.memory_space<vmem>> -> memref<128x128xf32, #tpu.memory_space<vmem>>
      %dma_wait3A_57 = arith.constant 0 : i32
      %dma_wait3A_58 = tpu.memref_slice %arg12[%add3A_13, %dma_wait3A_57] : memref<10112x128xf32, #tpu.memory_space<vmem_shared>> -> memref<128x128xf32, #tpu.memory_space<vmem_shared>>
      %dma_wait3A_59 = arith.constant 0 : i32
      %dma_wait3A_60 = tpu.memref_slice %arg12[%add3A_13, %dma_wait3A_59] : memref<10112x128xf32, #tpu.memory_space<vmem_shared>> -> memref<128x128xf32, #tpu.memory_space<vmem_shared>>
      %dma_wait3A_61 = arith.constant 0 : i32
      %dma_wait3A_62 = arith.constant 0 : i32
      %dma_wait3A_63 = tpu.memref_slice %arg10[%dma_wait3A_61, %dma_wait3A_62] : memref<128x128xf32, #tpu.memory_space<vmem>> -> memref<128x128xf32, #tpu.memory_space<vmem>>
      tpu.wait_dma2 semaphore(%run_scoped3A_43 : memref<!tpu.dma_semaphore, #tpu.memory_space<semaphore_mem>>) src(%dma_wait3A_63 : memref<128x128xf32, #tpu.memory_space<vmem>>) dst(%dma_wait3A_60 : memref<128x128xf32, #tpu.memory_space<vmem_shared>>)
      tpu.yield
    }) : () -> ()
    %add3A_14 = arith.constant 512 : i32
    %add3A_15 = arith.addi %mul3A_0, %add3A_14 : i32
    "tpu.region"() ({
      %run_scoped3A_43 = tpu.sem_alloc : memref<!tpu.dma_semaphore, #tpu.memory_space<semaphore_mem>>
      %dma_start3A_44 = arith.constant 0 : i32
      %dma_start3A_45 = arith.constant 0 : i32
      %dma_start3A_46 = tpu.memref_slice %arg10[%dma_start3A_44, %dma_start3A_45] : memref<128x128xf32, #tpu.memory_space<vmem>> -> memref<120x128xf32, #tpu.memory_space<vmem>>
      %dma_start3A_47 = arith.constant 0 : i32
      %dma_start3A_48 = tpu.memref_slice %arg12[%add3A_15, %dma_start3A_47] : memref<10112x128xf32, #tpu.memory_space<vmem_shared>> -> memref<120x128xf32, #tpu.memory_space<vmem_shared>>
      %dma_start3A_49 = arith.constant 0 : i32
      %dma_start3A_50 = tpu.memref_slice %arg12[%add3A_15, %dma_start3A_49] : memref<10112x128xf32, #tpu.memory_space<vmem_shared>> -> memref<120x128xf32, #tpu.memory_space<vmem_shared>>
      %dma_start3A_51 = arith.constant 0 : i32
      %dma_start3A_52 = arith.constant 0 : i32
      %dma_start3A_53 = tpu.memref_slice %arg10[%dma_start3A_51, %dma_start3A_52] : memref<128x128xf32, #tpu.memory_space<vmem>> -> memref<120x128xf32, #tpu.memory_space<vmem>>
      tpu.enqueue_dma source(%dma_start3A_53 : memref<120x128xf32, #tpu.memory_space<vmem>>) target(%dma_start3A_50 : memref<120x128xf32, #tpu.memory_space<vmem_shared>>) target_semaphore(%run_scoped3A_43 : memref<!tpu.dma_semaphore, #tpu.memory_space<semaphore_mem>>)
      %dma_wait3A_54 = arith.constant 0 : i32
      %dma_wait3A_55 = arith.constant 0 : i32
      %dma_wait3A_56 = tpu.memref_slice %arg10[%dma_wait3A_54, %dma_wait3A_55] : memref<128x128xf32, #tpu.memory_space<vmem>> -> memref<120x128xf32, #tpu.memory_space<vmem>>
      %dma_wait3A_57 = arith.constant 0 : i32
      %dma_wait3A_58 = tpu.memref_slice %arg12[%add3A_15, %dma_wait3A_57] : memref<10112x128xf32, #tpu.memory_space<vmem_shared>> -> memref<120x128xf32, #tpu.memory_space<vmem_shared>>
      %dma_wait3A_59 = arith.constant 0 : i32
      %dma_wait3A_60 = tpu.memref_slice %arg12[%add3A_15, %dma_wait3A_59] : memref<10112x128xf32, #tpu.memory_space<vmem_shared>> -> memref<120x128xf32, #tpu.memory_space<vmem_shared>>
      %dma_wait3A_61 = arith.constant 0 : i32
      %dma_wait3A_62 = arith.constant 0 : i32
      %dma_wait3A_63 = tpu.memref_slice %arg10[%dma_wait3A_61, %dma_wait3A_62] : memref<128x128xf32, #tpu.memory_space<vmem>> -> memref<120x128xf32, #tpu.memory_space<vmem>>
      tpu.wait_dma2 semaphore(%run_scoped3A_43 : memref<!tpu.dma_semaphore, #tpu.memory_space<semaphore_mem>>) src(%dma_wait3A_63 : memref<120x128xf32, #tpu.memory_space<vmem>>) dst(%dma_wait3A_60 : memref<120x128xf32, #tpu.memory_space<vmem_shared>>)
      tpu.yield
    }) : () -> ()
    %barrier3A = arith.constant 0 : index
    tpu.barrier barrier_id(%barrier3A)
    %mul3A_16 = arith.constant 2 : i32
    %mul3A_17 = arith.muli %arg1, %mul3A_16 : i32
    %add3A_18 = arith.addi %mul3A_17, %arg0 : i32
    %mul3A_19 = arith.constant 79 : i32
    %mul3A_20 = arith.muli %mul3A_19, %add3A_18 : i32
    %add3A_21 = arith.constant 0 : i32
    %add3A_22 = arith.addi %mul3A_20, %add3A_21 : i32
    "tpu.region"() ({
      %run_scoped3A_43 = tpu.sem_alloc : memref<!tpu.dma_semaphore, #tpu.memory_space<semaphore_mem>>
      %dma_start3A_44 = arith.constant 0 : i32
      %dma_start3A_45 = arith.constant 0 : i32
      %dma_start3A_46 = tpu.memref_slice %arg2[%add3A_22, %dma_start3A_44, %dma_start3A_45] : memref<2528x1x128xi32, #tpu.memory_space<hbm>> -> memref<1x1x128xi32, #tpu.memory_space<hbm>>
      %dma_start3A_47 = tpu.memref_squeeze %dma_start3A_46 : memref<1x1x128xi32, #tpu.memory_space<hbm>> -> memref<1x128xi32, #tpu.memory_space<hbm>>
      %dma_start3A_48 = arith.constant 0 : i32
      %dma_start3A_49 = arith.constant 0 : i32
      %dma_start3A_50 = tpu.memref_slice %arg2[%add3A_22, %dma_start3A_48, %dma_start3A_49] : memref<2528x1x128xi32, #tpu.memory_space<hbm>> -> memref<1x1x128xi32, #tpu.memory_space<hbm>>
      %dma_start3A_51 = tpu.memref_squeeze %dma_start3A_50 : memref<1x1x128xi32, #tpu.memory_space<hbm>> -> memref<1x128xi32, #tpu.memory_space<hbm>>
      tpu.enqueue_dma source(%dma_start3A_51 : memref<1x128xi32, #tpu.memory_space<hbm>>) target(%arg6 : memref<1x128xi32, #tpu.memory_space<vmem>>) target_semaphore(%run_scoped3A_43 : memref<!tpu.dma_semaphore, #tpu.memory_space<semaphore_mem>>)
      %dma_wait3A_52 = arith.constant 0 : i32
      %dma_wait3A_53 = arith.constant 0 : i32
      %dma_wait3A_54 = tpu.memref_slice %arg2[%add3A_22, %dma_wait3A_52, %dma_wait3A_53] : memref<2528x1x128xi32, #tpu.memory_space<hbm>> -> memref<1x1x128xi32, #tpu.memory_space<hbm>>
      %dma_wait3A_55 = tpu.memref_squeeze %dma_wait3A_54 : memref<1x1x128xi32, #tpu.memory_space<hbm>> -> memref<1x128xi32, #tpu.memory_space<hbm>>
      %dma_wait3A_56 = arith.constant 0 : i32
      %dma_wait3A_57 = arith.constant 0 : i32
      %dma_wait3A_58 = tpu.memref_slice %arg2[%add3A_22, %dma_wait3A_56, %dma_wait3A_57] : memref<2528x1x128xi32, #tpu.memory_space<hbm>> -> memref<1x1x128xi32, #tpu.memory_space<hbm>>
      %dma_wait3A_59 = tpu.memref_squeeze %dma_wait3A_58 : memref<1x1x128xi32, #tpu.memory_space<hbm>> -> memref<1x128xi32, #tpu.memory_space<hbm>>
      tpu.wait_dma2 semaphore(%run_scoped3A_43 : memref<!tpu.dma_semaphore, #tpu.memory_space<semaphore_mem>>) src(%dma_wait3A_59 : memref<1x128xi32, #tpu.memory_space<hbm>>) dst(%arg6 : memref<1x128xi32, #tpu.memory_space<vmem>>)
      tpu.yield
    }) : () -> ()
    "tpu.region"() ({
      %run_scoped3A_43 = tpu.sem_alloc : memref<!tpu.dma_semaphore, #tpu.memory_space<semaphore_mem>>
      %dma_start3A_44 = arith.constant 0 : i32
      %dma_start3A_45 = arith.constant 0 : i32
      %dma_start3A_46 = tpu.memref_slice %arg3[%add3A_22, %dma_start3A_44, %dma_start3A_45] : memref<2528x1x128xi32, #tpu.memory_space<hbm>> -> memref<1x1x128xi32, #tpu.memory_space<hbm>>
      %dma_start3A_47 = tpu.memref_squeeze %dma_start3A_46 : memref<1x1x128xi32, #tpu.memory_space<hbm>> -> memref<1x128xi32, #tpu.memory_space<hbm>>
      %dma_start3A_48 = arith.constant 0 : i32
      %dma_start3A_49 = arith.constant 0 : i32
      %dma_start3A_50 = tpu.memref_slice %arg3[%add3A_22, %dma_start3A_48, %dma_start3A_49] : memref<2528x1x128xi32, #tpu.memory_space<hbm>> -> memref<1x1x128xi32, #tpu.memory_space<hbm>>
      %dma_start3A_51 = tpu.memref_squeeze %dma_start3A_50 : memref<1x1x128xi32, #tpu.memory_space<hbm>> -> memref<1x128xi32, #tpu.memory_space<hbm>>
      tpu.enqueue_dma source(%dma_start3A_51 : memref<1x128xi32, #tpu.memory_space<hbm>>) target(%arg7 : memref<1x128xi32, #tpu.memory_space<vmem>>) target_semaphore(%run_scoped3A_43 : memref<!tpu.dma_semaphore, #tpu.memory_space<semaphore_mem>>)
      %dma_wait3A_52 = arith.constant 0 : i32
      %dma_wait3A_53 = arith.constant 0 : i32
      %dma_wait3A_54 = tpu.memref_slice %arg3[%add3A_22, %dma_wait3A_52, %dma_wait3A_53] : memref<2528x1x128xi32, #tpu.memory_space<hbm>> -> memref<1x1x128xi32, #tpu.memory_space<hbm>>
      %dma_wait3A_55 = tpu.memref_squeeze %dma_wait3A_54 : memref<1x1x128xi32, #tpu.memory_space<hbm>> -> memref<1x128xi32, #tpu.memory_space<hbm>>
      %dma_wait3A_56 = arith.constant 0 : i32
      %dma_wait3A_57 = arith.constant 0 : i32
      %dma_wait3A_58 = tpu.memref_slice %arg3[%add3A_22, %dma_wait3A_56, %dma_wait3A_57] : memref<2528x1x128xi32, #tpu.memory_space<hbm>> -> memref<1x1x128xi32, #tpu.memory_space<hbm>>
      %dma_wait3A_59 = tpu.memref_squeeze %dma_wait3A_58 : memref<1x1x128xi32, #tpu.memory_space<hbm>> -> memref<1x128xi32, #tpu.memory_space<hbm>>
      tpu.wait_dma2 semaphore(%run_scoped3A_43 : memref<!tpu.dma_semaphore, #tpu.memory_space<semaphore_mem>>) src(%dma_wait3A_59 : memref<1x128xi32, #tpu.memory_space<hbm>>) dst(%arg7 : memref<1x128xi32, #tpu.memory_space<vmem>>)
      tpu.yield
    }) : () -> ()
    %dma_start3A = arith.constant 0 : i32
    %dma_start3A_23 = arith.constant 0 : i32
    %dma_start3A_24 = tpu.memref_slice %arg6[%dma_start3A, %dma_start3A_23] : memref<1x128xi32, #tpu.memory_space<vmem>> -> memref<1x128xi32, #tpu.memory_space<vmem>>
    %dma_start3A_25 = tpu.memref_squeeze %dma_start3A_24 : memref<1x128xi32, #tpu.memory_space<vmem>> -> memref<128xi32, #tpu.memory_space<vmem>>
    %dma_start3A_26 = arith.constant 0 : i32
    %dma_start3A_27 = arith.constant 0 : i32
    %dma_start3A_28 = tpu.memref_slice %arg4[%dma_start3A_26, %dma_start3A_27] : memref<10112x128xf32, #tpu.memory_space<hbm>> -> memref<10112x128xf32, #tpu.memory_space<hbm>>
    tpu.enqueue_indirect_dma source(%dma_start3A_28 : memref<10112x128xf32, #tpu.memory_space<hbm>>) target(%arg10 : memref<128x128xf32, #tpu.memory_space<vmem>>) offsets(%dma_start3A_25 : memref<128xi32, #tpu.memory_space<vmem>>) semaphore(%arg13 : memref<!tpu.dma_semaphore, #tpu.memory_space<semaphore_mem>>)
    %scan3A_29 = arith.constant 0 : i32
    %scan3A_30 = arith.constant 0 : i32
    %scan3A_31 = arith.constant 39 : i32
    %scan3A_32 = arith.addi %scan3A_30, %scan3A_31 : i32
    %scan3A_33 = arith.constant 1 : i32
    %scan3A_34 = scf.for %scan3A_43 = %scan3A_30 to %scan3A_32 step %scan3A_33 iter_args(%scan3A_44 = %scan3A_29) -> (i32)  : i32 {
      %mul3A_45 = arith.constant 2 : i32
      %mul3A_46 = arith.muli %mul3A_45, %scan3A_43 : i32
      %add3A_47 = arith.constant 1 : i32
      %add3A_48 = arith.addi %mul3A_46, %add3A_47 : i32
      %mul3A_49 = arith.constant 2 : i32
      %mul3A_50 = arith.muli %mul3A_49, %scan3A_43 : i32
      %add3A_51 = arith.constant 2 : i32
      %add3A_52 = arith.addi %mul3A_50, %add3A_51 : i32
      %mul3A_53 = arith.constant 79 : i32
      %mul3A_54 = arith.muli %mul3A_53, %add3A_18 : i32
      %add3A_55 = arith.addi %mul3A_54, %add3A_48 : i32
      "tpu.region"() ({
        %run_scoped3A_90 = tpu.sem_alloc : memref<!tpu.dma_semaphore, #tpu.memory_space<semaphore_mem>>
        %dma_start3A_91 = arith.constant 0 : i32
        %dma_start3A_92 = arith.constant 0 : i32
        %dma_start3A_93 = tpu.memref_slice %arg2[%add3A_55, %dma_start3A_91, %dma_start3A_92] : memref<2528x1x128xi32, #tpu.memory_space<hbm>> -> memref<1x1x128xi32, #tpu.memory_space<hbm>>
        %dma_start3A_94 = tpu.memref_squeeze %dma_start3A_93 : memref<1x1x128xi32, #tpu.memory_space<hbm>> -> memref<1x128xi32, #tpu.memory_space<hbm>>
        %dma_start3A_95 = arith.constant 0 : i32
        %dma_start3A_96 = arith.constant 0 : i32
        %dma_start3A_97 = tpu.memref_slice %arg2[%add3A_55, %dma_start3A_95, %dma_start3A_96] : memref<2528x1x128xi32, #tpu.memory_space<hbm>> -> memref<1x1x128xi32, #tpu.memory_space<hbm>>
        %dma_start3A_98 = tpu.memref_squeeze %dma_start3A_97 : memref<1x1x128xi32, #tpu.memory_space<hbm>> -> memref<1x128xi32, #tpu.memory_space<hbm>>
        tpu.enqueue_dma source(%dma_start3A_98 : memref<1x128xi32, #tpu.memory_space<hbm>>) target(%arg8 : memref<1x128xi32, #tpu.memory_space<vmem>>) target_semaphore(%run_scoped3A_90 : memref<!tpu.dma_semaphore, #tpu.memory_space<semaphore_mem>>)
        %dma_wait3A_99 = arith.constant 0 : i32
        %dma_wait3A_100 = arith.constant 0 : i32
        %dma_wait3A_101 = tpu.memref_slice %arg2[%add3A_55, %dma_wait3A_99, %dma_wait3A_100] : memref<2528x1x128xi32, #tpu.memory_space<hbm>> -> memref<1x1x128xi32, #tpu.memory_space<hbm>>
        %dma_wait3A_102 = tpu.memref_squeeze %dma_wait3A_101 : memref<1x1x128xi32, #tpu.memory_space<hbm>> -> memref<1x128xi32, #tpu.memory_space<hbm>>
        %dma_wait3A_103 = arith.constant 0 : i32
        %dma_wait3A_104 = arith.constant 0 : i32
        %dma_wait3A_105 = tpu.memref_slice %arg2[%add3A_55, %dma_wait3A_103, %dma_wait3A_104] : memref<2528x1x128xi32, #tpu.memory_space<hbm>> -> memref<1x1x128xi32, #tpu.memory_space<hbm>>
        %dma_wait3A_106 = tpu.memref_squeeze %dma_wait3A_105 : memref<1x1x128xi32, #tpu.memory_space<hbm>> -> memref<1x128xi32, #tpu.memory_space<hbm>>
        tpu.wait_dma2 semaphore(%run_scoped3A_90 : memref<!tpu.dma_semaphore, #tpu.memory_space<semaphore_mem>>) src(%dma_wait3A_106 : memref<1x128xi32, #tpu.memory_space<hbm>>) dst(%arg8 : memref<1x128xi32, #tpu.memory_space<vmem>>)
        tpu.yield
      }) : () -> ()
      "tpu.region"() ({
        %run_scoped3A_90 = tpu.sem_alloc : memref<!tpu.dma_semaphore, #tpu.memory_space<semaphore_mem>>
        %dma_start3A_91 = arith.constant 0 : i32
        %dma_start3A_92 = arith.constant 0 : i32
        %dma_start3A_93 = tpu.memref_slice %arg3[%add3A_55, %dma_start3A_91, %dma_start3A_92] : memref<2528x1x128xi32, #tpu.memory_space<hbm>> -> memref<1x1x128xi32, #tpu.memory_space<hbm>>
        %dma_start3A_94 = tpu.memref_squeeze %dma_start3A_93 : memref<1x1x128xi32, #tpu.memory_space<hbm>> -> memref<1x128xi32, #tpu.memory_space<hbm>>
        %dma_start3A_95 = arith.constant 0 : i32
        %dma_start3A_96 = arith.constant 0 : i32
        %dma_start3A_97 = tpu.memref_slice %arg3[%add3A_55, %dma_start3A_95, %dma_start3A_96] : memref<2528x1x128xi32, #tpu.memory_space<hbm>> -> memref<1x1x128xi32, #tpu.memory_space<hbm>>
        %dma_start3A_98 = tpu.memref_squeeze %dma_start3A_97 : memref<1x1x128xi32, #tpu.memory_space<hbm>> -> memref<1x128xi32, #tpu.memory_space<hbm>>
        tpu.enqueue_dma source(%dma_start3A_98 : memref<1x128xi32, #tpu.memory_space<hbm>>) target(%arg9 : memref<1x128xi32, #tpu.memory_space<vmem>>) target_semaphore(%run_scoped3A_90 : memref<!tpu.dma_semaphore, #tpu.memory_space<semaphore_mem>>)
        %dma_wait3A_99 = arith.constant 0 : i32
        %dma_wait3A_100 = arith.constant 0 : i32
        %dma_wait3A_101 = tpu.memref_slice %arg3[%add3A_55, %dma_wait3A_99, %dma_wait3A_100] : memref<2528x1x128xi32, #tpu.memory_space<hbm>> -> memref<1x1x128xi32, #tpu.memory_space<hbm>>
        %dma_wait3A_102 = tpu.memref_squeeze %dma_wait3A_101 : memref<1x1x128xi32, #tpu.memory_space<hbm>> -> memref<1x128xi32, #tpu.memory_space<hbm>>
        %dma_wait3A_103 = arith.constant 0 : i32
        %dma_wait3A_104 = arith.constant 0 : i32
        %dma_wait3A_105 = tpu.memref_slice %arg3[%add3A_55, %dma_wait3A_103, %dma_wait3A_104] : memref<2528x1x128xi32, #tpu.memory_space<hbm>> -> memref<1x1x128xi32, #tpu.memory_space<hbm>>
        %dma_wait3A_106 = tpu.memref_squeeze %dma_wait3A_105 : memref<1x1x128xi32, #tpu.memory_space<hbm>> -> memref<1x128xi32, #tpu.memory_space<hbm>>
        tpu.wait_dma2 semaphore(%run_scoped3A_90 : memref<!tpu.dma_semaphore, #tpu.memory_space<semaphore_mem>>) src(%dma_wait3A_106 : memref<1x128xi32, #tpu.memory_space<hbm>>) dst(%arg9 : memref<1x128xi32, #tpu.memory_space<vmem>>)
        tpu.yield
      }) : () -> ()
      %dma_start3A_56 = arith.constant 0 : i32
      %dma_start3A_57 = arith.constant 0 : i32
      %dma_start3A_58 = tpu.memref_slice %arg8[%dma_start3A_56, %dma_start3A_57] : memref<1x128xi32, #tpu.memory_space<vmem>> -> memref<1x128xi32, #tpu.memory_space<vmem>>
      %dma_start3A_59 = tpu.memref_squeeze %dma_start3A_58 : memref<1x128xi32, #tpu.memory_space<vmem>> -> memref<128xi32, #tpu.memory_space<vmem>>
      %dma_start3A_60 = arith.constant 0 : i32
      %dma_start3A_61 = arith.constant 0 : i32
      %dma_start3A_62 = tpu.memref_slice %arg4[%dma_start3A_60, %dma_start3A_61] : memref<10112x128xf32, #tpu.memory_space<hbm>> -> memref<10112x128xf32, #tpu.memory_space<hbm>>
      tpu.enqueue_indirect_dma source(%dma_start3A_62 : memref<10112x128xf32, #tpu.memory_space<hbm>>) target(%arg11 : memref<128x128xf32, #tpu.memory_space<vmem>>) offsets(%dma_start3A_59 : memref<128xi32, #tpu.memory_space<vmem>>) semaphore(%arg14 : memref<!tpu.dma_semaphore, #tpu.memory_space<semaphore_mem>>)
      %dma_wait3A_63 = arith.constant 0 : i32
      %dma_wait3A_64 = arith.constant 0 : i32
      %dma_wait3A_65 = tpu.memref_slice %arg6[%dma_wait3A_63, %dma_wait3A_64] : memref<1x128xi32, #tpu.memory_space<vmem>> -> memref<1x128xi32, #tpu.memory_space<vmem>>
      %dma_wait3A_66 = tpu.memref_squeeze %dma_wait3A_65 : memref<1x128xi32, #tpu.memory_space<vmem>> -> memref<128xi32, #tpu.memory_space<vmem>>
      %dma_wait3A_67 = arith.constant 0 : i32
      %dma_wait3A_68 = arith.constant 0 : i32
      %dma_wait3A_69 = tpu.memref_slice %arg4[%dma_wait3A_67, %dma_wait3A_68] : memref<10112x128xf32, #tpu.memory_space<hbm>> -> memref<10112x128xf32, #tpu.memory_space<hbm>>
      tpu.wait_indirect_dma semaphore(%arg13 : memref<!tpu.dma_semaphore, #tpu.memory_space<semaphore_mem>>) src(%dma_wait3A_69 : memref<10112x128xf32, #tpu.memory_space<hbm>>) dst(%arg10 : memref<128x128xf32, #tpu.memory_space<vmem>>)
      %run_scoped3A_70 = arith.constant 0 : i32
      "tpu.region"() ({
        %run_scoped3A_90 = tpu.sem_alloc : memref<!tpu.dma_semaphore, #tpu.memory_space<semaphore_mem>>
        %dma_start3A_91 = arith.constant 0 : i32
        %dma_start3A_92 = tpu.memref_slice %arg7[%run_scoped3A_70, %dma_start3A_91] : memref<1x128xi32, #tpu.memory_space<vmem>> -> memref<1x128xi32, #tpu.memory_space<vmem>>
        %dma_start3A_93 = tpu.memref_squeeze %dma_start3A_92 : memref<1x128xi32, #tpu.memory_space<vmem>> -> memref<128xi32, #tpu.memory_space<vmem>>
        %dma_start3A_94 = arith.constant 0 : i32
        %dma_start3A_95 = arith.constant 0 : i32
        %dma_start3A_96 = tpu.memref_slice %arg12[%dma_start3A_94, %dma_start3A_95] : memref<10112x128xf32, #tpu.memory_space<vmem_shared>> -> memref<10112x128xf32, #tpu.memory_space<vmem_shared>>
        tpu.enqueue_indirect_dma source(%arg10 : memref<128x128xf32, #tpu.memory_space<vmem>>) target(%dma_start3A_96 : memref<10112x128xf32, #tpu.memory_space<vmem_shared>>) offsets(%dma_start3A_93 : memref<128xi32, #tpu.memory_space<vmem>>) semaphore(%run_scoped3A_90 : memref<!tpu.dma_semaphore, #tpu.memory_space<semaphore_mem>>) {add = true}
        %dma_wait3A_97 = arith.constant 0 : i32
        %dma_wait3A_98 = tpu.memref_slice %arg7[%run_scoped3A_70, %dma_wait3A_97] : memref<1x128xi32, #tpu.memory_space<vmem>> -> memref<1x128xi32, #tpu.memory_space<vmem>>
        %dma_wait3A_99 = tpu.memref_squeeze %dma_wait3A_98 : memref<1x128xi32, #tpu.memory_space<vmem>> -> memref<128xi32, #tpu.memory_space<vmem>>
        %dma_wait3A_100 = arith.constant 0 : i32
        %dma_wait3A_101 = arith.constant 0 : i32
        %dma_wait3A_102 = tpu.memref_slice %arg12[%dma_wait3A_100, %dma_wait3A_101] : memref<10112x128xf32, #tpu.memory_space<vmem_shared>> -> memref<10112x128xf32, #tpu.memory_space<vmem_shared>>
        tpu.wait_indirect_dma semaphore(%run_scoped3A_90 : memref<!tpu.dma_semaphore, #tpu.memory_space<semaphore_mem>>) src(%arg10 : memref<128x128xf32, #tpu.memory_space<vmem>>) dst(%dma_wait3A_102 : memref<10112x128xf32, #tpu.memory_space<vmem_shared>>)
        tpu.yield
      }) : () -> ()
      %mul3A_71 = arith.constant 79 : i32
      %mul3A_72 = arith.muli %mul3A_71, %add3A_18 : i32
      %add3A_73 = arith.addi %mul3A_72, %add3A_52 : i32
      "tpu.region"() ({
        %run_scoped3A_90 = tpu.sem_alloc : memref<!tpu.dma_semaphore, #tpu.memory_space<semaphore_mem>>
        %dma_start3A_91 = arith.constant 0 : i32
        %dma_start3A_92 = arith.constant 0 : i32
        %dma_start3A_93 = tpu.memref_slice %arg2[%add3A_73, %dma_start3A_91, %dma_start3A_92] : memref<2528x1x128xi32, #tpu.memory_space<hbm>> -> memref<1x1x128xi32, #tpu.memory_space<hbm>>
        %dma_start3A_94 = tpu.memref_squeeze %dma_start3A_93 : memref<1x1x128xi32, #tpu.memory_space<hbm>> -> memref<1x128xi32, #tpu.memory_space<hbm>>
        %dma_start3A_95 = arith.constant 0 : i32
        %dma_start3A_96 = arith.constant 0 : i32
        %dma_start3A_97 = tpu.memref_slice %arg2[%add3A_73, %dma_start3A_95, %dma_start3A_96] : memref<2528x1x128xi32, #tpu.memory_space<hbm>> -> memref<1x1x128xi32, #tpu.memory_space<hbm>>
        %dma_start3A_98 = tpu.memref_squeeze %dma_start3A_97 : memref<1x1x128xi32, #tpu.memory_space<hbm>> -> memref<1x128xi32, #tpu.memory_space<hbm>>
        tpu.enqueue_dma source(%dma_start3A_98 : memref<1x128xi32, #tpu.memory_space<hbm>>) target(%arg6 : memref<1x128xi32, #tpu.memory_space<vmem>>) target_semaphore(%run_scoped3A_90 : memref<!tpu.dma_semaphore, #tpu.memory_space<semaphore_mem>>)
        %dma_wait3A_99 = arith.constant 0 : i32
        %dma_wait3A_100 = arith.constant 0 : i32
        %dma_wait3A_101 = tpu.memref_slice %arg2[%add3A_73, %dma_wait3A_99, %dma_wait3A_100] : memref<2528x1x128xi32, #tpu.memory_space<hbm>> -> memref<1x1x128xi32, #tpu.memory_space<hbm>>
        %dma_wait3A_102 = tpu.memref_squeeze %dma_wait3A_101 : memref<1x1x128xi32, #tpu.memory_space<hbm>> -> memref<1x128xi32, #tpu.memory_space<hbm>>
        %dma_wait3A_103 = arith.constant 0 : i32
        %dma_wait3A_104 = arith.constant 0 : i32
        %dma_wait3A_105 = tpu.memref_slice %arg2[%add3A_73, %dma_wait3A_103, %dma_wait3A_104] : memref<2528x1x128xi32, #tpu.memory_space<hbm>> -> memref<1x1x128xi32, #tpu.memory_space<hbm>>
        %dma_wait3A_106 = tpu.memref_squeeze %dma_wait3A_105 : memref<1x1x128xi32, #tpu.memory_space<hbm>> -> memref<1x128xi32, #tpu.memory_space<hbm>>
        tpu.wait_dma2 semaphore(%run_scoped3A_90 : memref<!tpu.dma_semaphore, #tpu.memory_space<semaphore_mem>>) src(%dma_wait3A_106 : memref<1x128xi32, #tpu.memory_space<hbm>>) dst(%arg6 : memref<1x128xi32, #tpu.memory_space<vmem>>)
        tpu.yield
      }) : () -> ()
      "tpu.region"() ({
        %run_scoped3A_90 = tpu.sem_alloc : memref<!tpu.dma_semaphore, #tpu.memory_space<semaphore_mem>>
        %dma_start3A_91 = arith.constant 0 : i32
        %dma_start3A_92 = arith.constant 0 : i32
        %dma_start3A_93 = tpu.memref_slice %arg3[%add3A_73, %dma_start3A_91, %dma_start3A_92] : memref<2528x1x128xi32, #tpu.memory_space<hbm>> -> memref<1x1x128xi32, #tpu.memory_space<hbm>>
        %dma_start3A_94 = tpu.memref_squeeze %dma_start3A_93 : memref<1x1x128xi32, #tpu.memory_space<hbm>> -> memref<1x128xi32, #tpu.memory_space<hbm>>
        %dma_start3A_95 = arith.constant 0 : i32
        %dma_start3A_96 = arith.constant 0 : i32
        %dma_start3A_97 = tpu.memref_slice %arg3[%add3A_73, %dma_start3A_95, %dma_start3A_96] : memref<2528x1x128xi32, #tpu.memory_space<hbm>> -> memref<1x1x128xi32, #tpu.memory_space<hbm>>
        %dma_start3A_98 = tpu.memref_squeeze %dma_start3A_97 : memref<1x1x128xi32, #tpu.memory_space<hbm>> -> memref<1x128xi32, #tpu.memory_space<hbm>>
        tpu.enqueue_dma source(%dma_start3A_98 : memref<1x128xi32, #tpu.memory_space<hbm>>) target(%arg7 : memref<1x128xi32, #tpu.memory_space<vmem>>) target_semaphore(%run_scoped3A_90 : memref<!tpu.dma_semaphore, #tpu.memory_space<semaphore_mem>>)
        %dma_wait3A_99 = arith.constant 0 : i32
        %dma_wait3A_100 = arith.constant 0 : i32
        %dma_wait3A_101 = tpu.memref_slice %arg3[%add3A_73, %dma_wait3A_99, %dma_wait3A_100] : memref<2528x1x128xi32, #tpu.memory_space<hbm>> -> memref<1x1x128xi32, #tpu.memory_space<hbm>>
        %dma_wait3A_102 = tpu.memref_squeeze %dma_wait3A_101 : memref<1x1x128xi32, #tpu.memory_space<hbm>> -> memref<1x128xi32, #tpu.memory_space<hbm>>
        %dma_wait3A_103 = arith.constant 0 : i32
        %dma_wait3A_104 = arith.constant 0 : i32
        %dma_wait3A_105 = tpu.memref_slice %arg3[%add3A_73, %dma_wait3A_103, %dma_wait3A_104] : memref<2528x1x128xi32, #tpu.memory_space<hbm>> -> memref<1x1x128xi32, #tpu.memory_space<hbm>>
        %dma_wait3A_106 = tpu.memref_squeeze %dma_wait3A_105 : memref<1x1x128xi32, #tpu.memory_space<hbm>> -> memref<1x128xi32, #tpu.memory_space<hbm>>
        tpu.wait_dma2 semaphore(%run_scoped3A_90 : memref<!tpu.dma_semaphore, #tpu.memory_space<semaphore_mem>>) src(%dma_wait3A_106 : memref<1x128xi32, #tpu.memory_space<hbm>>) dst(%arg7 : memref<1x128xi32, #tpu.memory_space<vmem>>)
        tpu.yield
      }) : () -> ()
      %dma_start3A_74 = arith.constant 0 : i32
      %dma_start3A_75 = arith.constant 0 : i32
      %dma_start3A_76 = tpu.memref_slice %arg6[%dma_start3A_74, %dma_start3A_75] : memref<1x128xi32, #tpu.memory_space<vmem>> -> memref<1x128xi32, #tpu.memory_space<vmem>>
      %dma_start3A_77 = tpu.memref_squeeze %dma_start3A_76 : memref<1x128xi32, #tpu.memory_space<vmem>> -> memref<128xi32, #tpu.memory_space<vmem>>
      %dma_start3A_78 = arith.constant 0 : i32
      %dma_start3A_79 = arith.constant 0 : i32
      %dma_start3A_80 = tpu.memref_slice %arg4[%dma_start3A_78, %dma_start3A_79] : memref<10112x128xf32, #tpu.memory_space<hbm>> -> memref<10112x128xf32, #tpu.memory_space<hbm>>
      tpu.enqueue_indirect_dma source(%dma_start3A_80 : memref<10112x128xf32, #tpu.memory_space<hbm>>) target(%arg10 : memref<128x128xf32, #tpu.memory_space<vmem>>) offsets(%dma_start3A_77 : memref<128xi32, #tpu.memory_space<vmem>>) semaphore(%arg13 : memref<!tpu.dma_semaphore, #tpu.memory_space<semaphore_mem>>)
      %dma_wait3A_81 = arith.constant 0 : i32
      %dma_wait3A_82 = arith.constant 0 : i32
      %dma_wait3A_83 = tpu.memref_slice %arg8[%dma_wait3A_81, %dma_wait3A_82] : memref<1x128xi32, #tpu.memory_space<vmem>> -> memref<1x128xi32, #tpu.memory_space<vmem>>
      %dma_wait3A_84 = tpu.memref_squeeze %dma_wait3A_83 : memref<1x128xi32, #tpu.memory_space<vmem>> -> memref<128xi32, #tpu.memory_space<vmem>>
      %dma_wait3A_85 = arith.constant 0 : i32
      %dma_wait3A_86 = arith.constant 0 : i32
      %dma_wait3A_87 = tpu.memref_slice %arg4[%dma_wait3A_85, %dma_wait3A_86] : memref<10112x128xf32, #tpu.memory_space<hbm>> -> memref<10112x128xf32, #tpu.memory_space<hbm>>
      tpu.wait_indirect_dma semaphore(%arg14 : memref<!tpu.dma_semaphore, #tpu.memory_space<semaphore_mem>>) src(%dma_wait3A_87 : memref<10112x128xf32, #tpu.memory_space<hbm>>) dst(%arg11 : memref<128x128xf32, #tpu.memory_space<vmem>>)
      %run_scoped3A_88 = arith.constant 0 : i32
      "tpu.region"() ({
        %run_scoped3A_90 = tpu.sem_alloc : memref<!tpu.dma_semaphore, #tpu.memory_space<semaphore_mem>>
        %dma_start3A_91 = arith.constant 0 : i32
        %dma_start3A_92 = tpu.memref_slice %arg9[%run_scoped3A_88, %dma_start3A_91] : memref<1x128xi32, #tpu.memory_space<vmem>> -> memref<1x128xi32, #tpu.memory_space<vmem>>
        %dma_start3A_93 = tpu.memref_squeeze %dma_start3A_92 : memref<1x128xi32, #tpu.memory_space<vmem>> -> memref<128xi32, #tpu.memory_space<vmem>>
        %dma_start3A_94 = arith.constant 0 : i32
        %dma_start3A_95 = arith.constant 0 : i32
        %dma_start3A_96 = tpu.memref_slice %arg12[%dma_start3A_94, %dma_start3A_95] : memref<10112x128xf32, #tpu.memory_space<vmem_shared>> -> memref<10112x128xf32, #tpu.memory_space<vmem_shared>>
        tpu.enqueue_indirect_dma source(%arg11 : memref<128x128xf32, #tpu.memory_space<vmem>>) target(%dma_start3A_96 : memref<10112x128xf32, #tpu.memory_space<vmem_shared>>) offsets(%dma_start3A_93 : memref<128xi32, #tpu.memory_space<vmem>>) semaphore(%run_scoped3A_90 : memref<!tpu.dma_semaphore, #tpu.memory_space<semaphore_mem>>) {add = true}
        %dma_wait3A_97 = arith.constant 0 : i32
        %dma_wait3A_98 = tpu.memref_slice %arg9[%run_scoped3A_88, %dma_wait3A_97] : memref<1x128xi32, #tpu.memory_space<vmem>> -> memref<1x128xi32, #tpu.memory_space<vmem>>
        %dma_wait3A_99 = tpu.memref_squeeze %dma_wait3A_98 : memref<1x128xi32, #tpu.memory_space<vmem>> -> memref<128xi32, #tpu.memory_space<vmem>>
        %dma_wait3A_100 = arith.constant 0 : i32
        %dma_wait3A_101 = arith.constant 0 : i32
        %dma_wait3A_102 = tpu.memref_slice %arg12[%dma_wait3A_100, %dma_wait3A_101] : memref<10112x128xf32, #tpu.memory_space<vmem_shared>> -> memref<10112x128xf32, #tpu.memory_space<vmem_shared>>
        tpu.wait_indirect_dma semaphore(%run_scoped3A_90 : memref<!tpu.dma_semaphore, #tpu.memory_space<semaphore_mem>>) src(%arg11 : memref<128x128xf32, #tpu.memory_space<vmem>>) dst(%dma_wait3A_102 : memref<10112x128xf32, #tpu.memory_space<vmem_shared>>)
        tpu.yield
      }) : () -> ()
      %scan3A_89 = arith.constant 0 : i32
      scf.yield %scan3A_89 : i32
    }
    %scan3A_35 = arith.constant 39 : i32
    %dma_wait3A = arith.constant 0 : i32
    %dma_wait3A_36 = arith.constant 0 : i32
    %dma_wait3A_37 = tpu.memref_slice %arg6[%dma_wait3A, %dma_wait3A_36] : memref<1x128xi32, #tpu.memory_space<vmem>> -> memref<1x128xi32, #tpu.memory_space<vmem>>
    %dma_wait3A_38 = tpu.memref_squeeze %dma_wait3A_37 : memref<1x128xi32, #tpu.memory_space<vmem>> -> memref<128xi32, #tpu.memory_space<vmem>>
    %dma_wait3A_39 = arith.constant 0 : i32
    %dma_wait3A_40 = arith.constant 0 : i32
    %dma_wait3A_41 = tpu.memref_slice %arg4[%dma_wait3A_39, %dma_wait3A_40] : memref<10112x128xf32, #tpu.memory_space<hbm>> -> memref<10112x128xf32, #tpu.memory_space<hbm>>
    tpu.wait_indirect_dma semaphore(%arg13 : memref<!tpu.dma_semaphore, #tpu.memory_space<semaphore_mem>>) src(%dma_wait3A_41 : memref<10112x128xf32, #tpu.memory_space<hbm>>) dst(%arg10 : memref<128x128xf32, #tpu.memory_space<vmem>>)
    %run_scoped3A = arith.constant 0 : i32
    "tpu.region"() ({
      %run_scoped3A_43 = tpu.sem_alloc : memref<!tpu.dma_semaphore, #tpu.memory_space<semaphore_mem>>
      %dma_start3A_44 = arith.constant 0 : i32
      %dma_start3A_45 = tpu.memref_slice %arg7[%run_scoped3A, %dma_start3A_44] : memref<1x128xi32, #tpu.memory_space<vmem>> -> memref<1x128xi32, #tpu.memory_space<vmem>>
      %dma_start3A_46 = tpu.memref_squeeze %dma_start3A_45 : memref<1x128xi32, #tpu.memory_space<vmem>> -> memref<128xi32, #tpu.memory_space<vmem>>
      %dma_start3A_47 = arith.constant 0 : i32
      %dma_start3A_48 = arith.constant 0 : i32
      %dma_start3A_49 = tpu.memref_slice %arg12[%dma_start3A_47, %dma_start3A_48] : memref<10112x128xf32, #tpu.memory_space<vmem_shared>> -> memref<10112x128xf32, #tpu.memory_space<vmem_shared>>
      tpu.enqueue_indirect_dma source(%arg10 : memref<128x128xf32, #tpu.memory_space<vmem>>) target(%dma_start3A_49 : memref<10112x128xf32, #tpu.memory_space<vmem_shared>>) offsets(%dma_start3A_46 : memref<128xi32, #tpu.memory_space<vmem>>) semaphore(%run_scoped3A_43 : memref<!tpu.dma_semaphore, #tpu.memory_space<semaphore_mem>>) {add = true}
      %dma_wait3A_50 = arith.constant 0 : i32
      %dma_wait3A_51 = tpu.memref_slice %arg7[%run_scoped3A, %dma_wait3A_50] : memref<1x128xi32, #tpu.memory_space<vmem>> -> memref<1x128xi32, #tpu.memory_space<vmem>>
      %dma_wait3A_52 = tpu.memref_squeeze %dma_wait3A_51 : memref<1x128xi32, #tpu.memory_space<vmem>> -> memref<128xi32, #tpu.memory_space<vmem>>
      %dma_wait3A_53 = arith.constant 0 : i32
      %dma_wait3A_54 = arith.constant 0 : i32
      %dma_wait3A_55 = tpu.memref_slice %arg12[%dma_wait3A_53, %dma_wait3A_54] : memref<10112x128xf32, #tpu.memory_space<vmem_shared>> -> memref<10112x128xf32, #tpu.memory_space<vmem_shared>>
      tpu.wait_indirect_dma semaphore(%run_scoped3A_43 : memref<!tpu.dma_semaphore, #tpu.memory_space<semaphore_mem>>) src(%arg10 : memref<128x128xf32, #tpu.memory_space<vmem>>) dst(%dma_wait3A_55 : memref<10112x128xf32, #tpu.memory_space<vmem_shared>>)
      tpu.yield
    }) : () -> ()
    %barrier3A_42 = arith.constant 0 : index
    tpu.barrier barrier_id(%barrier3A_42)
    "tpu.region"() ({
      %run_scoped3A_43 = tpu.sem_alloc : memref<!tpu.dma_semaphore, #tpu.memory_space<semaphore_mem>>
      %dma_start3A_44 = arith.constant 0 : i32
      %dma_start3A_45 = tpu.memref_slice %arg5[%arg0, %mul3A_0, %dma_start3A_44] : memref<2x10112x128xf32, #tpu.memory_space<hbm>> -> memref<1x632x128xf32, #tpu.memory_space<hbm>>
      %dma_start3A_46 = tpu.memref_squeeze %dma_start3A_45 : memref<1x632x128xf32, #tpu.memory_space<hbm>> -> memref<632x128xf32, #tpu.memory_space<hbm>>
      %dma_start3A_47 = arith.constant 0 : i32
      %dma_start3A_48 = tpu.memref_slice %arg12[%mul3A_0, %dma_start3A_47] : memref<10112x128xf32, #tpu.memory_space<vmem_shared>> -> memref<632x128xf32, #tpu.memory_space<vmem_shared>>
      tpu.enqueue_dma source(%dma_start3A_48 : memref<632x128xf32, #tpu.memory_space<vmem_shared>>) target(%dma_start3A_46 : memref<632x128xf32, #tpu.memory_space<hbm>>) target_semaphore(%run_scoped3A_43 : memref<!tpu.dma_semaphore, #tpu.memory_space<semaphore_mem>>)
      %dma_wait3A_49 = arith.constant 0 : i32
      %dma_wait3A_50 = tpu.memref_slice %arg5[%arg0, %mul3A_0, %dma_wait3A_49] : memref<2x10112x128xf32, #tpu.memory_space<hbm>> -> memref<1x632x128xf32, #tpu.memory_space<hbm>>
      %dma_wait3A_51 = tpu.memref_squeeze %dma_wait3A_50 : memref<1x632x128xf32, #tpu.memory_space<hbm>> -> memref<632x128xf32, #tpu.memory_space<hbm>>
      %dma_wait3A_52 = arith.constant 0 : i32
      %dma_wait3A_53 = tpu.memref_slice %arg12[%mul3A_0, %dma_wait3A_52] : memref<10112x128xf32, #tpu.memory_space<vmem_shared>> -> memref<632x128xf32, #tpu.memory_space<vmem_shared>>
      tpu.wait_dma2 semaphore(%run_scoped3A_43 : memref<!tpu.dma_semaphore, #tpu.memory_space<semaphore_mem>>) src(%dma_wait3A_53 : memref<632x128xf32, #tpu.memory_space<vmem_shared>>) dst(%dma_wait3A_51 : memref<632x128xf32, #tpu.memory_space<hbm>>)
      tpu.yield
    }) : () -> ()
    return
  }
}

module attributes {stable_mosaic.version = 14 : i64} {
  func.func @_tc1_body(%arg0: memref<10112x128xf32, #tpu.memory_space<vmem>>, %arg1: memref<128x128xf32, #tpu.memory_space<vmem>>, %arg2: memref<2x10112xf32, #tpu.memory_space<vmem>>, %arg3: memref<10112x128xf32, #tpu.memory_space<vmem>>, %arg4: memref<1x10112xf32, #tpu.memory_space<vmem>>) attributes {dimension_semantics = [], scalar_prefetch = 0 : i64, scratch_operands = 0 : i64, tpu.core_type = #tpu.core_type<tc>} {
    %get3A = arith.constant 0 : index
    %get3A_0 = arith.constant 0 : index
    %get3A_1 = vector.load %arg2[%get3A, %get3A_0] : memref<2x10112xf32, #tpu.memory_space<vmem>>, vector<1x10112xf32>
    %get3A_2 = arith.constant 1 : index
    %get3A_3 = arith.constant 0 : index
    %get3A_4 = vector.load %arg2[%get3A_2, %get3A_3] : memref<2x10112xf32, #tpu.memory_space<vmem>>, vector<1x10112xf32>
    %add3A = arith.addf %get3A_1, %get3A_4 : vector<1x10112xf32>
    %add3A_5 = arith.constant 1.000000e+00 : f32
    %add3A_6 = vector.broadcast %add3A_5 : f32 to vector<1x10112xf32>
    %add3A_7 = arith.addf %add3A, %add3A_6 : vector<1x10112xf32>
    %rsqrt3A = math.rsqrt %add3A_7 : vector<1x10112xf32>
    %swap3A = arith.constant 0 : index
    %swap3A_8 = arith.constant 0 : index
    %swap3A_9 = vector.load %arg4[%swap3A, %swap3A_8] : memref<1x10112xf32, #tpu.memory_space<vmem>>, vector<1x10112xf32>
    tpu.vector_store %arg4[%swap3A, %swap3A_8], %rsqrt3A {strides = array<i32>} : memref<1x10112xf32, #tpu.memory_space<vmem>>, vector<1x10112xf32>,
    %get3A_10 = arith.constant 0 : index
    %get3A_11 = arith.constant 0 : index
    %get3A_12 = vector.load %arg0[%get3A_10, %get3A_11] : memref<10112x128xf32, #tpu.memory_space<vmem>>, vector<10112x128xf32>
    %get3A_13 = arith.constant 0 : index
    %get3A_14 = arith.constant 0 : index
    %get3A_15 = vector.load %arg1[%get3A_13, %get3A_14] : memref<128x128xf32, #tpu.memory_space<vmem>>, vector<128x128xf32>
    %dot_general3A = arith.constant dense<0.000000e+00> : vector<10112x128xf32>
    %dot_general3A_16 = tpu.matmul %get3A_12, %get3A_15, %dot_general3A {dimension_numbers = #tpu.dot_dimension_numbers<[1], [0], [0], [1], [0, 0, 1, 1], [], []>, transpose_lhs_hint = false} : vector<10112x128xf32>, vector<128x128xf32>, vector<10112x128xf32> -> vector<10112x128xf32>
    %reshape3A = vector.shape_cast %rsqrt3A : vector<1x10112xf32> to vector<10112x1xf32>
    %mul3A = vector.broadcast %reshape3A : vector<10112x1xf32> to vector<10112x128xf32>
    %mul3A_17 = arith.mulf %dot_general3A_16, %mul3A : vector<10112x128xf32>
    %swap3A_18 = arith.constant 0 : index
    %swap3A_19 = arith.constant 0 : index
    %swap3A_20 = vector.load %arg3[%swap3A_18, %swap3A_19] : memref<10112x128xf32, #tpu.memory_space<vmem>>, vector<10112x128xf32>
    tpu.vector_store %arg3[%swap3A_18, %swap3A_19], %mul3A_17 {strides = array<i32>} : memref<10112x128xf32, #tpu.memory_space<vmem>>, vector<10112x128xf32>,
    return
  }
}

module attributes {stable_mosaic.version = 14 : i64} {
  func.func @_tc2_body(%arg0: memref<2x10112x128xf32, #tpu.memory_space<vmem>>, %arg1: memref<10112x128xf32, #tpu.memory_space<vmem>>, %arg2: memref<1x10112xf32, #tpu.memory_space<vmem>>, %arg3: memref<128x128xf32, #tpu.memory_space<vmem>>, %arg4: memref<1x128xf32, #tpu.memory_space<vmem>>, %arg5: memref<1x128xf32, #tpu.memory_space<vmem>>, %arg6: memref<1x128xf32, #tpu.memory_space<vmem>>, %arg7: memref<10112x128xf32, #tpu.memory_space<vmem>>) attributes {dimension_semantics = [], scalar_prefetch = 0 : i64, scratch_operands = 0 : i64, tpu.core_type = #tpu.core_type<tc>} {
    %get3A = arith.constant 0 : index
    %get3A_0 = arith.constant 0 : index
    %get3A_1 = vector.load %arg2[%get3A, %get3A_0] : memref<1x10112xf32, #tpu.memory_space<vmem>>, vector<1x10112xf32>
    %reshape3A = vector.shape_cast %get3A_1 : vector<1x10112xf32> to vector<10112x1xf32>
    %get3A_2 = arith.constant 0 : index
    %get3A_3 = arith.constant 0 : index
    %get3A_4 = arith.constant 0 : index
    %get3A_5 = vector.load %arg0[%get3A_2, %get3A_3, %get3A_4] : memref<2x10112x128xf32, #tpu.memory_space<vmem>>, vector<1x10112x128xf32>
    %get3A_6 = vector.shape_cast %get3A_5 : vector<1x10112x128xf32> to vector<10112x128xf32>
    %get3A_7 = arith.constant 1 : index
    %get3A_8 = arith.constant 0 : index
    %get3A_9 = arith.constant 0 : index
    %get3A_10 = vector.load %arg0[%get3A_7, %get3A_8, %get3A_9] : memref<2x10112x128xf32, #tpu.memory_space<vmem>>, vector<1x10112x128xf32>
    %get3A_11 = vector.shape_cast %get3A_10 : vector<1x10112x128xf32> to vector<10112x128xf32>
    %add3A = arith.addf %get3A_6, %get3A_11 : vector<10112x128xf32>
    %get3A_12 = arith.constant 0 : index
    %get3A_13 = arith.constant 0 : index
    %get3A_14 = vector.load %arg1[%get3A_12, %get3A_13] : memref<10112x128xf32, #tpu.memory_space<vmem>>, vector<10112x128xf32>
    %add3A_15 = arith.addf %add3A, %get3A_14 : vector<10112x128xf32>
    %mul3A = vector.broadcast %reshape3A : vector<10112x1xf32> to vector<10112x128xf32>
    %mul3A_16 = arith.mulf %mul3A, %add3A_15 : vector<10112x128xf32>
    %get3A_17 = arith.constant 0 : index
    %get3A_18 = arith.constant 0 : index
    %get3A_19 = vector.load %arg4[%get3A_17, %get3A_18] : memref<1x128xf32, #tpu.memory_space<vmem>>, vector<1x128xf32>
    %add3A_20 = vector.broadcast %get3A_19 : vector<1x128xf32> to vector<10112x128xf32>
    %add3A_21 = arith.addf %mul3A_16, %add3A_20 : vector<10112x128xf32>
    %slice3A = vector.extract_strided_slice %add3A_21 {offsets = [0, 0], sizes = [10000, 128], strides = [1, 1]} : vector<10112x128xf32> to vector<10000x128xf32>
    %reduce_sum3A = arith.constant dense<0.000000e+00> : vector<128xf32>
    %reduce_sum3A_22 = vector.multi_reduction <add>, %slice3A, %reduce_sum3A [0] : vector<10000x128xf32> to vector<128xf32>
    %broadcast_in_dim3A = vector.shape_cast %reduce_sum3A_22 : vector<128xf32> to vector<1x128xf32>
    %div3A = arith.constant 1.000000e+04 : f32
    %div3A_23 = vector.broadcast %div3A : f32 to vector<1x128xf32>
    %div3A_24 = arith.divf %broadcast_in_dim3A, %div3A_23 : vector<1x128xf32>
    %sub3A = vector.broadcast %div3A_24 : vector<1x128xf32> to vector<10000x128xf32>
    %sub3A_25 = arith.subf %slice3A, %sub3A : vector<10000x128xf32>
    %mul3A_26 = arith.mulf %sub3A_25, %sub3A_25 : vector<10000x128xf32>
    %reduce_sum3A_27 = arith.constant dense<0.000000e+00> : vector<128xf32>
    %reduce_sum3A_28 = vector.multi_reduction <add>, %mul3A_26, %reduce_sum3A_27 [0] : vector<10000x128xf32> to vector<128xf32>
    %broadcast_in_dim3A_29 = vector.shape_cast %reduce_sum3A_28 : vector<128xf32> to vector<1x128xf32>
    %div3A_30 = arith.constant 1.000000e+04 : f32
    %div3A_31 = vector.broadcast %div3A_30 : f32 to vector<1x128xf32>
    %div3A_32 = arith.divf %broadcast_in_dim3A_29, %div3A_31 : vector<1x128xf32>
    %get3A_33 = arith.constant 0 : index
    %get3A_34 = arith.constant 0 : index
    %get3A_35 = vector.load %arg5[%get3A_33, %get3A_34] : memref<1x128xf32, #tpu.memory_space<vmem>>, vector<1x128xf32>
    %mul3A_36 = vector.broadcast %get3A_35 : vector<1x128xf32> to vector<10000x128xf32>
    %mul3A_37 = arith.mulf %mul3A_36, %sub3A_25 : vector<10000x128xf32>
    %add3A_38 = arith.constant 9.99999974E-6 : f32
    %add3A_39 = vector.broadcast %add3A_38 : f32 to vector<1x128xf32>
    %add3A_40 = arith.addf %div3A_32, %add3A_39 : vector<1x128xf32>
    %rsqrt3A = math.rsqrt %add3A_40 : vector<1x128xf32>
    %mul3A_41 = vector.broadcast %rsqrt3A : vector<1x128xf32> to vector<10000x128xf32>
    %mul3A_42 = arith.mulf %mul3A_37, %mul3A_41 : vector<10000x128xf32>
    %get3A_43 = arith.constant 0 : index
    %get3A_44 = arith.constant 0 : index
    %get3A_45 = vector.load %arg6[%get3A_43, %get3A_44] : memref<1x128xf32, #tpu.memory_space<vmem>>, vector<1x128xf32>
    %add3A_46 = vector.broadcast %get3A_45 : vector<1x128xf32> to vector<10000x128xf32>
    %add3A_47 = arith.addf %mul3A_42, %add3A_46 : vector<10000x128xf32>
    %max3A = arith.constant 0.000000e+00 : f32
    %max3A_48 = vector.broadcast %max3A : f32 to vector<10000x128xf32>
    %max3A_49 = arith.maximumf %add3A_47, %max3A_48 : vector<10000x128xf32>
    %get3A_50 = arith.constant 0 : index
    %get3A_51 = arith.constant 0 : index
    %get3A_52 = vector.load %arg3[%get3A_50, %get3A_51] : memref<128x128xf32, #tpu.memory_space<vmem>>, vector<128x128xf32>
    %dot_general3A = arith.constant dense<0.000000e+00> : vector<10000x128xf32>
    %dot_general3A_53 = tpu.matmul %max3A_49, %get3A_52, %dot_general3A {dimension_numbers = #tpu.dot_dimension_numbers<[1], [0], [0], [1], [0, 0, 1, 1], [], []>, transpose_lhs_hint = false} : vector<10000x128xf32>, vector<128x128xf32>, vector<10000x128xf32> -> vector<10000x128xf32>
    %slice3A_54 = vector.extract_strided_slice %reshape3A {offsets = [0, 0], sizes = [10000, 1], strides = [1, 1]} : vector<10112x1xf32> to vector<10000x1xf32>
    %mul3A_55 = vector.broadcast %slice3A_54 : vector<10000x1xf32> to vector<10000x128xf32>
    %mul3A_56 = arith.mulf %dot_general3A_53, %mul3A_55 : vector<10000x128xf32>
    %swap3A = arith.constant 0 : index
    %swap3A_57 = arith.constant 0 : index
    %swap3A_58 = vector.load %arg7[%swap3A, %swap3A_57] : memref<10112x128xf32, #tpu.memory_space<vmem>>, vector<10000x128xf32>
    tpu.vector_store %arg7[%swap3A, %swap3A_57], %mul3A_56 {strides = array<i32>} : memref<10112x128xf32, #tpu.memory_space<vmem>>, vector<10000x128xf32>,
    %broadcast_in_dim3A_59 = arith.constant 0.000000e+00 : f32
    %broadcast_in_dim3A_60 = vector.broadcast %broadcast_in_dim3A_59 : f32 to vector<112x128xf32>
    %swap3A_61 = arith.constant 10000 : index
    %swap3A_62 = arith.constant 0 : index
    %swap3A_63 = vector.load %arg7[%swap3A_61, %swap3A_62] : memref<10112x128xf32, #tpu.memory_space<vmem>>, vector<112x128xf32>
    tpu.vector_store %arg7[%swap3A_61, %swap3A_62], %broadcast_in_dim3A_60 {strides = array<i32>} : memref<10112x128xf32, #tpu.memory_space<vmem>>, vector<112x128xf32>,
    return
  }
}

module attributes {stable_mosaic.version = 14 : i64} {
  func.func @_tc3_body(%arg0: memref<2x10112x128xf32, #tpu.memory_space<vmem>>, %arg1: memref<10112x128xf32, #tpu.memory_space<vmem>>, %arg2: memref<1x10112xf32, #tpu.memory_space<vmem>>, %arg3: memref<10000x1xi32, #tpu.memory_space<vmem>>, %arg4: memref<128x16xf32, #tpu.memory_space<vmem>>, %arg5: memref<1x128xf32, #tpu.memory_space<vmem>>, %arg6: memref<1x128xf32, #tpu.memory_space<vmem>>, %arg7: memref<1x128xf32, #tpu.memory_space<vmem>>, %arg8: memref<1x16xf32, #tpu.memory_space<vmem>>, %arg9: memref<32x16xf32, #tpu.memory_space<vmem>>) attributes {dimension_semantics = [], scalar_prefetch = 0 : i64, scratch_operands = 0 : i64, tpu.core_type = #tpu.core_type<tc>} {
    %get3A = arith.constant 0 : index
    %get3A_0 = arith.constant 0 : index
    %get3A_1 = vector.load %arg2[%get3A, %get3A_0] : memref<1x10112xf32, #tpu.memory_space<vmem>>, vector<1x10112xf32>
    %reshape3A = vector.shape_cast %get3A_1 : vector<1x10112xf32> to vector<10112x1xf32>
    %slice3A = vector.extract_strided_slice %reshape3A {offsets = [0, 0], sizes = [10000, 1], strides = [1, 1]} : vector<10112x1xf32> to vector<10000x1xf32>
    %get3A_2 = arith.constant 0 : index
    %get3A_3 = arith.constant 0 : index
    %get3A_4 = arith.constant 0 : index
    %get3A_5 = vector.load %arg0[%get3A_2, %get3A_3, %get3A_4] : memref<2x10112x128xf32, #tpu.memory_space<vmem>>, vector<1x10112x128xf32>
    %get3A_6 = vector.shape_cast %get3A_5 : vector<1x10112x128xf32> to vector<10112x128xf32>
    %get3A_7 = arith.constant 1 : index
    %get3A_8 = arith.constant 0 : index
    %get3A_9 = arith.constant 0 : index
    %get3A_10 = vector.load %arg0[%get3A_7, %get3A_8, %get3A_9] : memref<2x10112x128xf32, #tpu.memory_space<vmem>>, vector<1x10112x128xf32>
    %get3A_11 = vector.shape_cast %get3A_10 : vector<1x10112x128xf32> to vector<10112x128xf32>
    %add3A = arith.addf %get3A_6, %get3A_11 : vector<10112x128xf32>
    %get3A_12 = arith.constant 0 : index
    %get3A_13 = arith.constant 0 : index
    %get3A_14 = vector.load %arg1[%get3A_12, %get3A_13] : memref<10112x128xf32, #tpu.memory_space<vmem>>, vector<10112x128xf32>
    %add3A_15 = arith.addf %add3A, %get3A_14 : vector<10112x128xf32>
    %slice3A_16 = vector.extract_strided_slice %add3A_15 {offsets = [0, 0], sizes = [10000, 128], strides = [1, 1]} : vector<10112x128xf32> to vector<10000x128xf32>
    %mul3A = vector.broadcast %slice3A : vector<10000x1xf32> to vector<10000x128xf32>
    %mul3A_17 = arith.mulf %mul3A, %slice3A_16 : vector<10000x128xf32>
    %get3A_18 = arith.constant 0 : index
    %get3A_19 = arith.constant 0 : index
    %get3A_20 = vector.load %arg5[%get3A_18, %get3A_19] : memref<1x128xf32, #tpu.memory_space<vmem>>, vector<1x128xf32>
    %add3A_21 = vector.broadcast %get3A_20 : vector<1x128xf32> to vector<10000x128xf32>
    %add3A_22 = arith.addf %mul3A_17, %add3A_21 : vector<10000x128xf32>
    %reduce_sum3A = arith.constant dense<0.000000e+00> : vector<128xf32>
    %reduce_sum3A_23 = vector.multi_reduction <add>, %add3A_22, %reduce_sum3A [0] : vector<10000x128xf32> to vector<128xf32>
    %broadcast_in_dim3A = vector.shape_cast %reduce_sum3A_23 : vector<128xf32> to vector<1x128xf32>
    %div3A = arith.constant 1.000000e+04 : f32
    %div3A_24 = vector.broadcast %div3A : f32 to vector<1x128xf32>
    %div3A_25 = arith.divf %broadcast_in_dim3A, %div3A_24 : vector<1x128xf32>
    %sub3A = vector.broadcast %div3A_25 : vector<1x128xf32> to vector<10000x128xf32>
    %sub3A_26 = arith.subf %add3A_22, %sub3A : vector<10000x128xf32>
    %mul3A_27 = arith.mulf %sub3A_26, %sub3A_26 : vector<10000x128xf32>
    %reduce_sum3A_28 = arith.constant dense<0.000000e+00> : vector<128xf32>
    %reduce_sum3A_29 = vector.multi_reduction <add>, %mul3A_27, %reduce_sum3A_28 [0] : vector<10000x128xf32> to vector<128xf32>
    %broadcast_in_dim3A_30 = vector.shape_cast %reduce_sum3A_29 : vector<128xf32> to vector<1x128xf32>
    %div3A_31 = arith.constant 1.000000e+04 : f32
    %div3A_32 = vector.broadcast %div3A_31 : f32 to vector<1x128xf32>
    %div3A_33 = arith.divf %broadcast_in_dim3A_30, %div3A_32 : vector<1x128xf32>
    %get3A_34 = arith.constant 0 : index
    %get3A_35 = arith.constant 0 : index
    %get3A_36 = vector.load %arg6[%get3A_34, %get3A_35] : memref<1x128xf32, #tpu.memory_space<vmem>>, vector<1x128xf32>
    %mul3A_37 = vector.broadcast %get3A_36 : vector<1x128xf32> to vector<10000x128xf32>
    %mul3A_38 = arith.mulf %mul3A_37, %sub3A_26 : vector<10000x128xf32>
    %add3A_39 = arith.constant 9.99999974E-6 : f32
    %add3A_40 = vector.broadcast %add3A_39 : f32 to vector<1x128xf32>
    %add3A_41 = arith.addf %div3A_33, %add3A_40 : vector<1x128xf32>
    %rsqrt3A = math.rsqrt %add3A_41 : vector<1x128xf32>
    %mul3A_42 = vector.broadcast %rsqrt3A : vector<1x128xf32> to vector<10000x128xf32>
    %mul3A_43 = arith.mulf %mul3A_38, %mul3A_42 : vector<10000x128xf32>
    %get3A_44 = arith.constant 0 : index
    %get3A_45 = arith.constant 0 : index
    %get3A_46 = vector.load %arg7[%get3A_44, %get3A_45] : memref<1x128xf32, #tpu.memory_space<vmem>>, vector<1x128xf32>
    %add3A_47 = vector.broadcast %get3A_46 : vector<1x128xf32> to vector<10000x128xf32>
    %add3A_48 = arith.addf %mul3A_43, %add3A_47 : vector<10000x128xf32>
    %max3A = arith.constant 0.000000e+00 : f32
    %max3A_49 = vector.broadcast %max3A : f32 to vector<10000x128xf32>
    %max3A_50 = arith.maximumf %add3A_48, %max3A_49 : vector<10000x128xf32>
    %iota3A = tpu.iota {dimensions = array<i32: 1>} : vector<10000x32xi32>
    %get3A_51 = arith.constant 0 : index
    %get3A_52 = arith.constant 0 : index
    %get3A_53 = vector.load %arg3[%get3A_51, %get3A_52] : memref<10000x1xi32, #tpu.memory_space<vmem>>, vector<10000x1xi32>
    %eq3A = vector.broadcast %get3A_53 : vector<10000x1xi32> to vector<10000x32xi32>
    %eq3A_54 = arith.cmpi eq, %eq3A, %iota3A : vector<10000x32xi32>
    %convert_element_type3A = arith.extui %eq3A_54 : vector<10000x32xi1> to vector<10000x32xi32>
    %convert_element_type3A_55 = arith.sitofp %convert_element_type3A : vector<10000x32xi32> to vector<10000x32xf32>
    %dot_general3A = arith.constant dense<0.000000e+00> : vector<32x128xf32>
    %dot_general3A_56 = tpu.matmul %convert_element_type3A_55, %max3A_50, %dot_general3A {dimension_numbers = #tpu.dot_dimension_numbers<[0], [0], [1], [1], [0, 1, 1, 1], [], []>, transpose_lhs_hint = false} : vector<10000x32xf32>, vector<10000x128xf32>, vector<32x128xf32> -> vector<32x128xf32>
    %broadcast_in_dim3A_57 = arith.constant 1.000000e+00 : f32
    %broadcast_in_dim3A_58 = vector.broadcast %broadcast_in_dim3A_57 : f32 to vector<10000x1xf32>
    %dot_general3A_59 = arith.constant dense<0.000000e+00> : vector<32x1xf32>
    %dot_general3A_60 = tpu.matmul %convert_element_type3A_55, %broadcast_in_dim3A_58, %dot_general3A_59 {dimension_numbers = #tpu.dot_dimension_numbers<[0], [0], [1], [1], [0, 1, 1, 1], [], []>, transpose_lhs_hint = false} : vector<10000x32xf32>, vector<10000x1xf32>, vector<32x1xf32> -> vector<32x1xf32>
    %max3A_61 = arith.constant 1.000000e+00 : f32
    %max3A_62 = vector.broadcast %max3A_61 : f32 to vector<32x1xf32>
    %max3A_63 = arith.maximumf %dot_general3A_60, %max3A_62 : vector<32x1xf32>
    %div3A_64 = vector.broadcast %max3A_63 : vector<32x1xf32> to vector<32x128xf32>
    %div3A_65 = arith.divf %dot_general3A_56, %div3A_64 : vector<32x128xf32>
    %get3A_66 = arith.constant 0 : index
    %get3A_67 = arith.constant 0 : index
    %get3A_68 = vector.load %arg4[%get3A_66, %get3A_67] : memref<128x16xf32, #tpu.memory_space<vmem>>, vector<128x16xf32>
    %dot_general3A_69 = arith.constant dense<0.000000e+00> : vector<32x16xf32>
    %dot_general3A_70 = tpu.matmul %div3A_65, %get3A_68, %dot_general3A_69 {dimension_numbers = #tpu.dot_dimension_numbers<[1], [0], [0], [1], [0, 0, 1, 1], [], []>, transpose_lhs_hint = false} : vector<32x128xf32>, vector<128x16xf32>, vector<32x16xf32> -> vector<32x16xf32>
    %get3A_71 = arith.constant 0 : index
    %get3A_72 = arith.constant 0 : index
    %get3A_73 = vector.load %arg8[%get3A_71, %get3A_72] : memref<1x16xf32, #tpu.memory_space<vmem>>, vector<1x16xf32>
    %add3A_74 = vector.broadcast %get3A_73 : vector<1x16xf32> to vector<32x16xf32>
    %add3A_75 = arith.addf %dot_general3A_70, %add3A_74 : vector<32x16xf32>
    %logistic3A = arith.negf %add3A_75 : vector<32x16xf32>
    %logistic3A_76 = math.exp %logistic3A : vector<32x16xf32>
    %logistic3A_77 = arith.constant 1.000000e+00 : f32
    %logistic3A_78 = vector.broadcast %logistic3A_77 : f32 to vector<32x16xf32>
    %logistic3A_79 = arith.addf %logistic3A_78, %logistic3A_76 : vector<32x16xf32>
    %logistic3A_80 = arith.divf %logistic3A_78, %logistic3A_79 : vector<32x16xf32>
    %swap3A = arith.constant 0 : index
    %swap3A_81 = arith.constant 0 : index
    %swap3A_82 = vector.load %arg9[%swap3A, %swap3A_81] : memref<32x16xf32, #tpu.memory_space<vmem>>, vector<32x16xf32>
    tpu.vector_store %arg9[%swap3A, %swap3A_81], %logistic3A_80 {strides = array<i32>} : memref<32x16xf32, #tpu.memory_space<vmem>>, vector<32x16xf32>,
    return
  }
}

</mosaic_0001>

<sc_bundles>
// kernel: kernel.11.cloned.1.call-start
scs
__scs_entry_jumppad:
0x0: {  	(pc) =	sbr.rel $0x88, $3  }
0x1: {  	(tag) =	ssettag $0x0;
	lr =	simm.s32 $0x1  }
0x2: {  	[smem:$0x3F94] =	sst lr;
	_ =	strace $0xD0000000  }
0x3: {  	_ = 	snop  }
0x4: {  	_ = 	snop  }
0x5: {  	_ = 	snop  }
0x6: {  	_ = 	snop  }
0x7: {  	_ = 	snop  }
__scs_overlays_trampoline_lowered:
0x8: {  	[smem:$0x3FA3] =	sst s0  }
0x9: {  	[smem:$0x3FA4] =	sst s1  }
0xa: {  	[smem:$0x3FA5] =	sst s2  }
0xb: {  	[smem:$0x3FA6] =	sst s3  }
0xc: {  	[smem:$0x3FA7] =	sst s4  }
0xd: {  	[smem:$0x3FA8] =	sst s5  }
0xe: {  	[smem:$0x3FA9] =	sst s6  }
0xf: {  	[smem:$0x3FAA] =	sst s7  }
0x10: {  	[smem:$0x3FAB] =	sst s8  }
0x11: {  	[smem:$0x3FAC] =	sst s9;
	s0 =	simm.s32 @!p0 $0x0  }
0x12: {  	s1 =	sld [smem:$0x3F92];
	s0 =	simm.s32 @p0 $0x1  }
0x13: {  	[smem:$0x3FAD] =	sst s0;
	s0 =	simm.s32 @!p1 $0x0  }
0x14: {  	s2 =	sld [smem:$0x3F91];
	s0 =	simm.s32 @p1 $0x1  }
0x15: {  	[smem:$0x3FAE] =	sst s0;
	s0 =	simm.s32 @!p2 $0x0  }
0x16: {  	s3 =	sld [smem:$0x3FDB];
	s0 =	simm.s32 @p2 $0x1  }
0x17: {  	s4 =	simm.s32 $0x1BF5;
	[smem:$0x3FB0] =	sst s0  }
0x18: {  	s0 =	sld [smem:$0x3F93];
	_ =	swait.ge [sflag:s4], $0x0  }
0x19: {  	s7 =	sld [smem:$0x3F94]  }
0x1a: {  	s8 =	sadd.s32 $0xFFFFE003, lr  }
0x1b: {  	s9 =	sadd.s32 $0xFFFFFEF7, lr;
	s5 =	simm.s32 $0xFFFFFFFF;
	p2 =	slt.u32 s8, $0xFFFFF086  }
0x1c: {  	p1 =	slt.u32 s9, $0xF7A;
	s5 =	simm.s32 @!p2 $0x0  }
0x1d: {  	s5 =	simm.s32 @p1 $0x1;
	p0 =	seq.s32 s7, s2  }
0x1e: {  	s7 =	smul.u32 @!p0 $0xF7A, s2;
	p2 =	seq.s32 @!p0 s5, $0x0  }
0x1f: {  	s9 =	smul.u32 $0xF7A, s1;
	s8 =	simm.s32 @!p0 $0x1BF5;
	p2 =	por !p2, p0  }
0x20: {  	[sflag:s8] =	ssyncset.s32 @!p0 $0xFFFFF086;
	s6 =	sadd.s32 @!p0 s3, s7;
	s7 =	simm.s32 @!p0 $0x108  }
0x21: {  	s3 =	sadd.s32 s3, s9;
	s6 =	sadd.s32 @!p0 $0x88, s6;
	s7 =	simm.s32 @p2 $0x1082  }
0x22: {  	[simem:s7], [sflag:s8] =	dma.local @!p0 [hbm:s6], $0xF7A  }
0x23: {  	s9 =	sor.u32 $0xD0000000, s2;
	s6 =	simm.s32 $0x108;
	_ =	swait.ge @!p0 [sflag:s8], $0x0  }
0x24: {  	s3 =	sadd.s32 $0x88, s3;
	s6 =	simm.s32 @!p1 $0x1082;
	[sflag:s4] =	ssyncset.s32 $0xFFFFF086  }
0x25: {  	[simem:s6], [sflag:s4] =	dma.local [hbm:s3], $0xF7A  }
0x26: {  	[smem:$0x3F94] =	sst s1;
	(tag) =	ssettag s2;
	_ =	strace s9  }
0x27: {  	s1 =	sld [smem:$0x3FA4]  }
0x28: {  	s2 =	sld [smem:$0x3FA5]  }
0x29: {  	s4 =	sld [smem:$0x3FA7]  }
0x2a: {  	p0 =	seq.s32 s5, $0x0;
	s5 =	sld [smem:$0x3FA8]  }
0x2b: {  	s6 =	sld [smem:$0x3FA9]  }
0x2c: {  	s7 =	sld [smem:$0x3FAA]  }
0x2d: {  	s3 =	simm.s32 $0x108;
	s8 =	sld [smem:$0x3FAB]  }
0x2e: {  	s3 =	simm.s32 @!p0 $0x1082;
	s9 =	sld [smem:$0x3FAC]  }
0x2f: {  	lr =	sadd.s32 s0, s3;
	s0 =	sld [smem:$0x3FA3]  }
0x30: {  	s3 =	sld [smem:$0x3FA6]  }
0x31: {  	[smem:$0x3FAF] =	sst s10  }
0x32: {  	s10 =	sld [smem:$0x3FAD];
	_ =	sdelay $0x3  }
0x33: {  	p0 =	seq.s32 s10, $0x1;
	s10 =	sld [smem:$0x3FAF];
	_ =	sdelay $0x3  }
0x34: {  	[smem:$0x3FAF] =	sst s10  }
0x35: {  	s10 =	sld [smem:$0x3FAE];
	_ =	sdelay $0x3  }
0x36: {  	p1 =	seq.s32 s10, $0x1;
	s10 =	sld [smem:$0x3FAF];
	_ =	sdelay $0x3  }
0x37: {  	[smem:$0x3FAF] =	sst s10  }
0x38: {  	s10 =	sld [smem:$0x3FB0]  }
0x39: {  	_ = 	snop;
	(pc) =	sbr.ind lr, $3  }
0x3a: {  	_ = 	snop  }
0x3b: {  	_ = 	snop  }
0x3c: {  	p2 =	seq.s32 s10, $0x1;
	s10 =	sld [smem:$0x3FAF]  }
0x3d: {  	_ =	shalt  }
0x3e: {  	_ =	shalt  }
0x3f: {  	_ =	shalt  }
0x40: {  	_ =	shalt  }
0x41: {  	_ =	shalt  }
0x42: {  	_ =	shalt  }
0x43: {  	_ =	shalt  }
0x44: {  	_ =	shalt  }
0x45: {  	_ =	shalt  }
0x46: {  	_ =	shalt  }
0x47: {  	_ =	shalt  }
0x48: {  	_ =	shalt  }
0x49: {  	_ =	shalt  }
0x4a: {  	_ =	shalt  }
0x4b: {  	_ =	shalt  }
0x4c: {  	_ =	shalt  }
0x4d: {  	_ =	shalt  }
0x4e: {  	_ =	shalt  }
0x4f: {  	_ =	shalt  }
0x50: {  	_ =	shalt  }
0x51: {  	_ =	shalt  }
0x52: {  	_ =	shalt  }
0x53: {  	_ =	shalt  }
0x54: {  	_ =	shalt  }
0x55: {  	_ =	shalt  }
0x56: {  	_ =	shalt  }
0x57: {  	_ =	shalt  }
0x58: {  	_ =	shalt  }
0x59: {  	_ =	shalt  }
0x5a: {  	_ =	shalt  }
0x5b: {  	_ =	shalt  }
0x5c: {  	_ =	shalt  }
0x5d: {  	_ =	shalt  }
0x5e: {  	_ =	shalt  }
0x5f: {  	_ =	shalt  }
0x60: {  	_ =	shalt  }
0x61: {  	_ =	shalt  }
0x62: {  	_ =	shalt  }
0x63: {  	_ =	shalt  }
0x64: {  	_ =	shalt  }
0x65: {  	_ =	shalt  }
0x66: {  	_ =	shalt  }
0x67: {  	_ =	shalt  }
0x68: {  	_ =	shalt  }
0x69: {  	_ =	shalt  }
0x6a: {  	_ =	shalt  }
0x6b: {  	_ =	shalt  }
0x6c: {  	_ =	shalt  }
0x6d: {  	_ =	shalt  }
0x6e: {  	_ =	shalt  }
0x6f: {  	_ =	shalt  }
0x70: {  	_ =	shalt  }
0x71: {  	_ =	shalt  }
0x72: {  	_ =	shalt  }
0x73: {  	_ =	shalt  }
0x74: {  	_ =	shalt  }
0x75: {  	_ =	shalt  }
0x76: {  	_ =	shalt  }
0x77: {  	_ =	shalt  }
0x78: {  	_ =	shalt  }
0x79: {  	_ =	shalt  }
0x7a: {  	_ =	shalt  }
0x7b: {  	_ =	shalt  }
0x7c: {  	_ =	shalt  }
0x7d: {  	_ =	shalt  }
0x7e: {  	_ =	shalt  }
0x7f: {  	_ =	shalt  }
0x80: {  	_ =	shalt  }
0x81: {  	_ =	shalt  }
0x82: {  	_ =	shalt  }
0x83: {  	_ =	shalt  }
0x84: {  	_ =	shalt  }
0x85: {  	_ =	shalt  }
0x86: {  	_ =	shalt  }
0x87: {  	_ =	shalt  }
.Lfunc_end0:
.L_simem_size_0:
called_computation.1_lowered:
.L_overlay_start_0:
0x88: {  	s2 =	sld [smem:$0x3FD9]  }
0x89: {  	s3 =	sld [smem:$0x3FFE];
	_ =	sdelay $0x1  }
0x8a: {  	s1 =	srdreg.scid  }
0x8b: {  	s0 =	sand.u32 $0x1, s1  }
0x8c: {  	s16 =	sshll.u32 s0, $0xA;
	s2 =	sadd.s32 s3, s2  }
0x8d: {  	s2 =	sadd.s32 s2, s16  }
0x8e: {  	[smem:$0x3FBB] =	sst s2  }
0x8f: {  	_ = 	snop  }
0x90: {  	(tm) =	ssettm $0x1  }
0x91: {  	s17 =	sld [smem:$0x3FFB];
	_ =	sdelay $0x3  }
0x92: {  	_ =	strace s17  }
0x93: {  	s2 =	sld [smem:$0x3FFC];
	_ =	sdelay $0x3  }
0x94: {  	_ =	strace s2  }
0x95: {  	s2 =	sld [smem:$0x3FFD];
	_ =	sdelay $0x3  }
0x96: {  	_ =	strace s2  }
0x97: {  	_ =	strace $0x8FFFFFFF  }
0x98: {  	s18 =	sld [smem:$0x3FDB];
	_ =	sdelay $0x1  }
0x99: {  	s19 =	simm.s32 $_scs_section_size  }
0x9a: {  	s4 =	simm.s32 $_size__tile_overlayer_lowered;
	s5 =	simm.s32 $_tile_overlayer_lowered  }
0x9b: {  	s22 =	simm.s32 $0x1BFF;
	s21 =	sshll.u32 s5, $0x1;
	s2 =	sadd.s32 s19, s18  }
0x9c: {  	s6 =	simm.s32 $0x0;
	s20 =	sshll.u32 s4, $0x1;
	s4 =	sadd.s32 s21, s2  }
0x9d: {  	[timem:s6], [sflag:s22] =	dma.local [hbm:s4], s20  }
0x9e: {  	_ =	swait.ge [sflag:s22], s20  }
0x9f: {  	s3 =	ssub.s32 $0x0, s20;
	[sflag:s22] =	ssyncset.done $0x0  }
0xa0: {  	[sflag:s22] =	ssyncadd.s32 s3;
	_ =	sdelay $0x1  }
0xa1: {  	s23 =	simm.s32 $0x1B8B  }
0xa2: {  	_ =	swait.ge [sflag:s23], $0x1  }
0xa3: {  	[sflag:s23] =	ssyncset.done $0x0  }
0xa4: {  	s25 =	simm.s32 $0x1B8E;
	s24 =	sld [smem:$0x3FFE];
	[sflag:s23] =	ssyncadd.s32 $0xFFFFFFFF  }
0xa5: {  	s26 =	simm.s32 $execute0_lowered;
	[smem:$0x3FD2] =	sst s25  }
0xa6: {  	s4 =	sshll.u32 s26, $0x1;
	_ =	strace $0x80000049;
	[dreg:$0x1] =	wrdreg $0xFFFFFFFF  }
0xa7: {  	s28 =	simm.s32 $_size_execute0_lowered;
	s2 =	sadd.s32 s2, s4;
	[dreg:$0x0] =	wrdreg $0x0  }
0xa8: {  	s4 =	sshll.u32 s28, $0x1;
	[dreg:$0x2] =	wrdreg s2  }
0xa9: {  	[dreg:$0x3] =	wrdreg s4  }
0xaa: {  	[dreg:$0x4] =	wrdreg $0xC0  }
0xab: {  	_ =	task [dreg:s6], $0x5FFFF  }
0xac: {  	[dreg:$0x1] =	wrdreg $0xFFFFFFFF  }
0xad: {  	[dreg:$0x0] =	wrdreg $0x60  }
0xae: {  	[dreg:$0x2] =	wrdreg s24  }
0xaf: {  	[dreg:$0x3] =	wrdreg $0x82000  }
0xb0: {  	[dreg:$0x4] =	wrdreg $0x9  }
0xb1: {  	_ =	task.clear_ibuf [dreg:s6], $0x5FFFF;
	_ =	strace $0x90000049  }
0xb2: {  	s29 =	simm.s32 $0x9;
	_ =	strace $0x8000004B  }
0xb3: {  	_ =	swait.ge [sflag:s29], $0x1  }
0xb4: {  	[sflag:s29] =	ssyncadd.s32 $0xFFFFFFFF  }
0xb5: {  	_ =	strace $0x9000004B  }
0xb6: {  	_ =	sfence  }
0xb7: {  	s30 =	sld [smem:$0x0];
	_ =	sdelay $0x2  }
0xb8: {  	s31 =	sshll.u32 s1, $0xD;
	s1 =	sshrl.u32 s1, $0x2  }
0xb9: {  	s3 =	sand.u32 $0x4000, s31;
	s1 =	sadd.s32 s1, s30  }
0xba: {  	s0 =	sor.u32 s3, s0;
	s1 =	sshll.u32 s1, $0x11  }
0xbb: {  	s0 =	sor.u32 s1, s0  }
0xbc: {  	s0 =	sadd.s32 $0x8F2B, s0  }
0xbd: {  	[sflag:s0] =	ssyncadd.remote.s32 $0x1  }
0xbe: {  	_ =	sfence.sel $0xFFFF  }
0xbf: {  	[dreg:$0x0] =	wrdreg $0xFFFFFFFF;
	(pc) =	sbr.abs _section_cstart, $3  }
0xc0: {  	[dreg:$0x1] =	wrdreg $0xFFFFFFFF  }
0xc1: {  	_ =	task.clear_ibuf [dreg:s6], $0x2FFFF;
	_ =	strace $0x9FFFFFFF  }
0xc2: {  	(tm) =	ssettm $0x7FFFFFFF  }
0xc3: {  	_ =	shalt  }
tec
execute0_lowered:
.L_overlay_start_1:
0x0: {  	(tag) =	ssettag $0x1  }
0x1: {  	s5 =	rddreg [dreg:$0x0]  }
0x2: {  	s1 =	rddreg [dreg:$0x1]  }
0x3: {  	s2 =	srdreg.scid;
	s3 =	simm.s32 $0x0;
	s20 =	simm.s32 $0x80  }
0x4: {  	s21 =	simm.s32 $0x100;
	s22 =	simm.s32 $0x180;
	s6 =	sand.u32 $0x1, s2  }
0x5: {  	s23 =	simm.s32 $0x4200;
	s2 =	stileid.u32;
	s4 =	smul.u32 $0x13C000, s6  }
0x6: {  	s24 =	simm.s32 $0x1;
	[smem:$0x7FF] =	sst s3;
	s7 =	smul.u32 $0x13C00, s2  }
0x7: {  	s16 =	sadd.s32 $0x18200, s5;
	s17 =	sadd.s32 $0x3A00, s5;
	s10 =	smul.u32 $0x4F000, s2  }
0x8: {  	_ =	strace $0x8000004A;
	s25 =	ssub.s32 $0x2, s6;
	s29 =	smul.u32 $0x9E, s2  }
0x9: {  	s28 =	sshll.u32 s2, $0x1;
	s11 =	smul.u32 $0x4F, s6;
	s9 =	sshrl.u32 s25, $0x1  }
0xa: {  	s30 =	sor.u32 s6, s28;
	s4 =	sadd.s32 s7, s4;
	s13 =	ssub.s32 s25, s9  }
0xb: {  	s26 =	sshrl.u32 s10, $0x2;
	s14 =	smul.u32 $0x4F0, s30;
	s15 =	sadd.s32 s11, s29  }
0xc: {  	s25 =	simm.s32 $0x2;
	s8 =	sshrl.u32 s4, $0x3;
	s4 =	sadd.s32 $0x22000, s5  }
0xd: {  	s15 =	sshll.u32 s15, $0x4;
	s13 =	smax.u32 s13, $0x1;
	s12 =	sadd.s32 s8, s5  }
0xe: {  	s5 =	sadd.s32 s26, s1;
	s10 =	sadd.s32 s16, s14;
	s11 =	sadd.s32 s17, s14  }
0xf: {  	s31 =	sadd.s32 s15, s16;
	s18 =	sadd.s32 s15, s17;
	s19 =	sadd.s32 $0x10, s15  }
0x10: {  	s26 =	simm.s32 $0x0;
	s6 =	sadd.s32 $0x4000, s5;
	s7 =	sadd.s32 $0x8000, s5  }
0x11: {  	s8 =	sadd.s32 $0xC000, s5;
	s9 =	sadd.s32 $0x10000, s5;
	s12 =	sadd.s32 $0x49800, s12  }
0x12: {  	s14 =	sadd.s32 $0x20, s31;
	s15 =	sadd.s32 $0x20, s18;
	s16 =	sadd.s32 s19, s16  }
0x13: {  	v0 =	vimm.f32 $0.0e+00;
	s17 =	sadd.s32 s19, s17;
	s18 =	simm.s32 $0x200;
	s19 =	simm.s32 $0x3  }
.LBB2_1:
0x14: {  	s28 =	sand.u32 $0xFE00, s3  }
0x15: {  	s29 =	sand.u32 $0x70, s3;
	s30 =	sshrl.u32 s28, $0x2  }
0x16: {  	s28 =	simm.s32 $0x40;
	s30 =	sor.u32 s29, s30;
	s29 =	simm.s32 $0x0  }
.LBB2_2:
0x17: {  	p0 =	sne.s32 s28, $0xFFC0  }
0x18: {  	[tilespmem:s30+$0x200] =	vst v0;
	s29 =	sadd.s32 $0x10, s29;
	s30 =	smov.u32 s28;
	s28 =	sadd.s32 $0x40, s28  }
.Ltmp0:
0x19: {  	(pc) =	sbr.rel @p0 .LBB2_2-.Ltmp0, $4  }
0x1a: {  	_ = 	snop  }
0x1b: {  	s30 =	sand.u32 $0xFE00, s30  }
0x1c: {  	s31 =	sand.u32 $0x70, s29;
	s30 =	sshrl.u32 s30, $0x2  }
0x1d: {  	s30 =	sor.u32 s31, s30  }
0x1e: {  	[tilespmem:s30+$0x200] =	vst v0  }
0x1f: {  	[spmem:s5] =	stream.linear.scatter [tilespmem:s18], [sflag:$0x3], $0x4000, $0x38;
	[tilespmem:$0x1BE00] =	vst v63  }
0x20: {  	_ =	swait.ge [sflag:s19], $0x4000  }
0x21: {  	[sflag:s19] =	ssyncset.done $0x0  }
0x22: {  	[sflag:s19] =	ssyncadd.s32 $0xFFFFC000  }
0x23: {  	[spmem:s6] =	stream.linear.scatter [tilespmem:s18], [sflag:$0x3], $0x4000, $0x38;
	[tilespmem:$0x1BE00] =	vst v63  }
0x24: {  	_ =	swait.ge [sflag:s19], $0x4000  }
0x25: {  	[sflag:s19] =	ssyncset.done $0x0  }
0x26: {  	[sflag:s19] =	ssyncadd.s32 $0xFFFFC000  }
0x27: {  	[spmem:s7] =	stream.linear.scatter [tilespmem:s18], [sflag:$0x3], $0x4000, $0x38;
	[tilespmem:$0x1BE00] =	vst v63  }
0x28: {  	_ =	swait.ge [sflag:s19], $0x4000  }
0x29: {  	[sflag:s19] =	ssyncset.done $0x0  }
0x2a: {  	[sflag:s19] =	ssyncadd.s32 $0xFFFFC000  }
0x2b: {  	[spmem:s8] =	stream.linear.scatter [tilespmem:s18], [sflag:$0x3], $0x4000, $0x38;
	[tilespmem:$0x1BE00] =	vst v63  }
0x2c: {  	_ =	swait.ge [sflag:s19], $0x4000  }
0x2d: {  	[sflag:s19] =	ssyncset.done $0x0  }
0x2e: {  	[sflag:s19] =	ssyncadd.s32 $0xFFFFC000  }
0x2f: {  	[spmem:s9] =	stream.linear.scatter [tilespmem:s18], [sflag:$0x3], $0x3C00, $0x38;
	[tilespmem:$0x1BE00] =	vst v63  }
0x30: {  	_ =	swait.ge [sflag:s19], $0x3C00  }
0x31: {  	[sflag:s19] =	ssyncset.done $0x0  }
0x32: {  	[sflag:s19] =	ssyncadd.s32 $0xFFFFC400  }
0x33: {  	s28 =	simm.s32 $0x0;
	[bflag:$0x0] =	sbarrier.arrive $0xFFFF  }
0x34: {  	[tilespmem:s28], [sflag:$0x3] =	stream.linear.gather [hbm4b:s10+s28], $0x80, $0x38;
	[tilespmem:$0x1BE00] =	vst v63  }
0x35: {  	_ =	swait.ge [sflag:s19], $0x80  }
0x36: {  	[sflag:s19] =	ssyncset.done $0x0  }
0x37: {  	[sflag:s19] =	ssyncadd.s32 $0xFFFFFF80  }
0x38: {  	[tilespmem:s20], [sflag:$0x3] =	stream.linear.gather [hbm4b:s11+s28], $0x80, $0x38;
	[tilespmem:$0x1BE00] =	vst v63  }
0x39: {  	_ =	swait.ge [sflag:s19], $0x80  }
0x3a: {  	[sflag:s19] =	ssyncset.done $0x0  }
0x3b: {  	[sflag:s19] =	ssyncadd.s32 $0xFFFFFF80  }
0x3c: {  	[tilespmem:s18], [sflag:$0x1] =	stream.indirect.gather [hbm4b:s4+s20], $0x80, s28, s20, $0xb8;
	[tilespmem:$0x1BE00] =	vst v63  }
0x3d: {  	s28 =	sadd.s32 $0x0, s16  }
0x3e: {  	[tilespmem:s21], [sflag:$0x3] =	stream.linear.gather [hbm4b:s28+s3], $0x80, $0x38;
	[tilespmem:$0x1BE00] =	vst v63  }
0x3f: {  	_ =	swait.ge [sflag:s19], $0x80  }
0x40: {  	[sflag:s19] =	ssyncset.done $0x0  }
0x41: {  	s28 =	sadd.s32 $0x0, s17;
	[sflag:s19] =	ssyncadd.s32 $0xFFFFFF80  }
0x42: {  	[tilespmem:s22], [sflag:$0x3] =	stream.linear.gather [hbm4b:s28+s3], $0x80, $0x38;
	[tilespmem:$0x1BE00] =	vst v63  }
0x43: {  	_ =	swait.ge [sflag:s19], $0x80  }
0x44: {  	[sflag:s19] =	ssyncset.done $0x0  }
0x45: {  	[sflag:s19] =	ssyncadd.s32 $0xFFFFFF80  }
0x46: {  	[tilespmem:s23], [sflag:$0x2] =	stream.indirect.gather [hbm4b:s4+s20], $0x80, s21, s20, $0xb8;
	[tilespmem:$0x1BE00] =	vst v63  }
0x47: {  	_ =	swait.ge [sflag:s24], $0x4000  }
0x48: {  	[sflag:s24] =	ssyncset.done $0x0  }
0x49: {  	[sflag:s24] =	ssyncadd.s32 $0xFFFFC000  }
0x4a: {  	[spmem:s1] =	stream.indirect.scatter.add.f32 [tilespmem:s18], [sflag:$0x3], $0x80, s20, s20, $0xb8;
	[tilespmem:$0x1BE00] =	vst v63  }
0x4b: {  	_ =	swait.ge [sflag:s19], $0x4000  }
0x4c: {  	[sflag:s19] =	ssyncset.done $0x0  }
0x4d: {  	s28 =	sadd.s32 $0x0, s14;
	[sflag:s19] =	ssyncadd.s32 $0xFFFFC000  }
0x4e: {  	[tilespmem:s3], [sflag:$0x3] =	stream.linear.gather [hbm4b:s28+s3], $0x80, $0x38;
	[tilespmem:$0x1BE00] =	vst v63  }
0x4f: {  	_ =	swait.ge [sflag:s19], $0x80  }
0x50: {  	[sflag:s19] =	ssyncset.done $0x0  }
0x51: {  	s28 =	sadd.s32 $0x0, s15;
	[sflag:s19] =	ssyncadd.s32 $0xFFFFFF80  }
0x52: {  	[tilespmem:s20], [sflag:$0x3] =	stream.linear.gather [hbm4b:s28+s3], $0x80, $0x38;
	[tilespmem:$0x1BE00] =	vst v63  }
0x53: {  	_ =	swait.ge [sflag:s19], $0x80  }
0x54: {  	[sflag:s19] =	ssyncset.done $0x0  }
0x55: {  	[sflag:s19] =	ssyncadd.s32 $0xFFFFFF80  }
0x56: {  	[tilespmem:s18], [sflag:$0x1] =	stream.indirect.gather [hbm4b:s4+s20], $0x80, s3, s20, $0xb8;
	[tilespmem:$0x1BE00] =	vst v63  }
0x57: {  	_ =	swait.ge [sflag:s25], $0x4000  }
0x58: {  	[sflag:s25] =	ssyncset.done $0x0  }
0x59: {  	[sflag:s25] =	ssyncadd.s32 $0xFFFFC000  }
0x5a: {  	[spmem:s1] =	stream.indirect.scatter.add.f32 [tilespmem:s23], [sflag:$0x3], $0x80, s22, s20, $0xb8;
	[tilespmem:$0x1BE00] =	vst v63  }
0x5b: {  	_ =	swait.ge [sflag:s19], $0x4000  }
0x5c: {  	s30 =	simm.s32 $0x40;
	s28 =	simm.s32 $0x20;
	[sflag:s19] =	ssyncset.done $0x0  }
.LBB2_4:
0x5d: {  	s31 =	sadd.s32 s28, s16  }
0x5e: {  	[sflag:s19] =	ssyncadd.s32 $0xFFFFC000;
	s0 =	smov.u32 s30;
	s29 =	sadd.s32 $0x20, s30  }
0x5f: {  	[tilespmem:s21], [sflag:$0x3] =	stream.linear.gather [hbm4b:s31+s3], $0x80, $0x38;
	[tilespmem:$0x1BE00] =	vst v63  }
0x60: {  	p0 =	sne.s32 s30, $0x4C0;
	_ =	swait.ge [sflag:s19], $0x80  }
0x61: {  	[sflag:s19] =	ssyncset.done $0x0  }
0x62: {  	s30 =	sadd.s32 s28, s17;
	[sflag:s19] =	ssyncadd.s32 $0xFFFFFF80  }
0x63: {  	[tilespmem:s22], [sflag:$0x3] =	stream.linear.gather [hbm4b:s30+s3], $0x80, $0x38;
	[tilespmem:$0x1BE00] =	vst v63  }
0x64: {  	_ =	swait.ge [sflag:s19], $0x80  }
0x65: {  	[sflag:s19] =	ssyncset.done $0x0  }
0x66: {  	[sflag:s19] =	ssyncadd.s32 $0xFFFFFF80  }
0x67: {  	[tilespmem:s23], [sflag:$0x2] =	stream.indirect.gather [hbm4b:s4+s20], $0x80, s21, s20, $0xb8;
	[tilespmem:$0x1BE00] =	vst v63  }
0x68: {  	_ =	swait.ge [sflag:s24], $0x4000  }
0x69: {  	[sflag:s24] =	ssyncset.done $0x0  }
0x6a: {  	[sflag:s24] =	ssyncadd.s32 $0xFFFFC000  }
0x6b: {  	[spmem:s1] =	stream.indirect.scatter.add.f32 [tilespmem:s18], [sflag:$0x3], $0x80, s20, s20, $0xb8;
	[tilespmem:$0x1BE00] =	vst v63  }
0x6c: {  	_ =	swait.ge [sflag:s19], $0x4000  }
0x6d: {  	[sflag:s19] =	ssyncset.done $0x0  }
0x6e: {  	s30 =	sadd.s32 s28, s14;
	[sflag:s19] =	ssyncadd.s32 $0xFFFFC000  }
0x6f: {  	[tilespmem:s3], [sflag:$0x3] =	stream.linear.gather [hbm4b:s30+s3], $0x80, $0x38;
	[tilespmem:$0x1BE00] =	vst v63  }
0x70: {  	_ =	swait.ge [sflag:s19], $0x80  }
0x71: {  	[sflag:s19] =	ssyncset.done $0x0  }
0x72: {  	s30 =	sadd.s32 s28, s15;
	s28 =	smov.u32 s0;
	[sflag:s19] =	ssyncadd.s32 $0xFFFFFF80  }
0x73: {  	[tilespmem:s20], [sflag:$0x3] =	stream.linear.gather [hbm4b:s30+s3], $0x80, $0x38;
	[tilespmem:$0x1BE00] =	vst v63  }
0x74: {  	_ =	swait.ge [sflag:s19], $0x80  }
0x75: {  	[sflag:s19] =	ssyncset.done $0x0  }
0x76: {  	[sflag:s19] =	ssyncadd.s32 $0xFFFFFF80  }
0x77: {  	[tilespmem:s18], [sflag:$0x1] =	stream.indirect.gather [hbm4b:s4+s20], $0x80, s3, s20, $0xb8;
	[tilespmem:$0x1BE00] =	vst v63  }
0x78: {  	_ =	swait.ge [sflag:s25], $0x4000  }
.Ltmp1:
0x79: {  	[sflag:s25] =	ssyncset.done $0x0;
	(pc) =	sbr.rel @p0 .LBB2_4-.Ltmp1, $4  }
0x7a: {  	[sflag:s25] =	ssyncadd.s32 $0xFFFFC000  }
0x7b: {  	[spmem:s1] =	stream.indirect.scatter.add.f32 [tilespmem:s23], [sflag:$0x3], $0x80, s22, s20, $0xb8;
	[tilespmem:$0x1BE00] =	vst v63  }
0x7c: {  	_ =	swait.ge [sflag:s19], $0x4000  }
0x7d: {  	s30 =	smov.u32 s29;
	[sflag:s19] =	ssyncset.done $0x0  }
0x7e: {  	s0 =	sadd.s32 s28, s16;
	[sflag:s19] =	ssyncadd.s32 $0xFFFFC000  }
0x7f: {  	[tilespmem:s21], [sflag:$0x3] =	stream.linear.gather [hbm4b:s0+s3], $0x80, $0x38;
	[tilespmem:$0x1BE00] =	vst v63  }
0x80: {  	_ =	swait.ge [sflag:s19], $0x80  }
0x81: {  	[sflag:s19] =	ssyncset.done $0x0  }
0x82: {  	s30 =	sadd.s32 s28, s17;
	[sflag:s19] =	ssyncadd.s32 $0xFFFFFF80  }
0x83: {  	[tilespmem:s22], [sflag:$0x3] =	stream.linear.gather [hbm4b:s30+s3], $0x80, $0x38;
	[tilespmem:$0x1BE00] =	vst v63  }
0x84: {  	_ =	swait.ge [sflag:s19], $0x80  }
0x85: {  	[sflag:s19] =	ssyncset.done $0x0  }
0x86: {  	[sflag:s19] =	ssyncadd.s32 $0xFFFFFF80  }
0x87: {  	[tilespmem:s23], [sflag:$0x2] =	stream.indirect.gather [hbm4b:s4+s20], $0x80, s21, s20, $0xb8;
	[tilespmem:$0x1BE00] =	vst v63  }
0x88: {  	_ =	swait.ge [sflag:s24], $0x4000  }
0x89: {  	[sflag:s24] =	ssyncset.done $0x0  }
0x8a: {  	[sflag:s24] =	ssyncadd.s32 $0xFFFFC000  }
0x8b: {  	[spmem:s1] =	stream.indirect.scatter.add.f32 [tilespmem:s18], [sflag:$0x3], $0x80, s20, s20, $0xb8;
	[tilespmem:$0x1BE00] =	vst v63  }
0x8c: {  	_ =	swait.ge [sflag:s19], $0x4000  }
0x8d: {  	[sflag:s19] =	ssyncset.done $0x0  }
0x8e: {  	s31 =	sadd.s32 s28, s14;
	[sflag:s19] =	ssyncadd.s32 $0xFFFFC000  }
0x8f: {  	[tilespmem:s3], [sflag:$0x3] =	stream.linear.gather [hbm4b:s31+s3], $0x80, $0x38;
	[tilespmem:$0x1BE00] =	vst v63  }
0x90: {  	_ =	swait.ge [sflag:s19], $0x80  }
0x91: {  	[sflag:s19] =	ssyncset.done $0x0  }
0x92: {  	s29 =	sadd.s32 s28, s15;
	[sflag:s19] =	ssyncadd.s32 $0xFFFFFF80  }
0x93: {  	[tilespmem:s20], [sflag:$0x3] =	stream.linear.gather [hbm4b:s29+s3], $0x80, $0x38;
	[tilespmem:$0x1BE00] =	vst v63  }
0x94: {  	_ =	swait.ge [sflag:s19], $0x80  }
0x95: {  	[sflag:s19] =	ssyncset.done $0x0  }
0x96: {  	[sflag:s19] =	ssyncadd.s32 $0xFFFFFF80  }
0x97: {  	[tilespmem:s18], [sflag:$0x1] =	stream.indirect.gather [hbm4b:s4+s20], $0x80, s3, s20, $0xb8;
	[tilespmem:$0x1BE00] =	vst v63  }
0x98: {  	_ =	swait.ge [sflag:s25], $0x4000  }
0x99: {  	[sflag:s25] =	ssyncset.done $0x0  }
0x9a: {  	[sflag:s25] =	ssyncadd.s32 $0xFFFFC000  }
0x9b: {  	[spmem:s1] =	stream.indirect.scatter.add.f32 [tilespmem:s23], [sflag:$0x3], $0x80, s22, s20, $0xb8;
	[tilespmem:$0x1BE00] =	vst v63  }
0x9c: {  	_ =	swait.ge [sflag:s19], $0x4000  }
0x9d: {  	[sflag:s19] =	ssyncset.done $0x0  }
0x9e: {  	[sflag:s19] =	ssyncadd.s32 $0xFFFFC000  }
0x9f: {  	_ =	swait.ge [sflag:s24], $0x4000  }
0xa0: {  	[sflag:s24] =	ssyncset.done $0x0  }
0xa1: {  	[sflag:s24] =	ssyncadd.s32 $0xFFFFC000  }
0xa2: {  	[spmem:s1] =	stream.indirect.scatter.add.f32 [tilespmem:s18], [sflag:$0x3], $0x80, s20, s20, $0xb8;
	[tilespmem:$0x1BE00] =	vst v63  }
0xa3: {  	_ =	swait.ge [sflag:s19], $0x4000  }
0xa4: {  	s26 =	sadd.s32 $0x1, s26;
	s30 =	sshll.u32 s2, $0x6;
	[sflag:s19] =	ssyncset.done $0x0  }
0xa5: {  	p0 =	sne.s32 s26, s13;
	s0 =	sor.u32 $0x1C03, s30;
	[sflag:s19] =	ssyncadd.s32 $0xFFFFC000  }
.Ltmp2:
0xa6: {  	s31 =	sshrl.u32 s5, $0x3;
	[bflag:$0x0] =	sbarrier.arrive $0xFFFF;
	(pc) =	sbr.rel @p0 .LBB2_1-.Ltmp2, $4  }
0xa7: {  	[hbm:s12], [sflag:s0] =	dma.local [spmem:s31], $0x2780  }
0xa8: {  	_ =	swait.ge [sflag:s19], $0x2780  }
0xa9: {  	[sflag:s19] =	ssyncset.done $0x0  }
0xaa: {  	[sflag:s19] =	ssyncadd.s32 $0xFFFFD880  }
0xab: {  	_ =	sfence.sel $0x180000  }
0xac: {  	[bflag:$0x0] =	sbarrier.arrive $0xFFFF  }
0xad: {  	_ =	strace $0x9000004A  }
0xae: {  	[bflag:$0x2] =	sbarrier.arrive $0xFFFF  }
0xaf: {  	p0 =	sne.s32 s2, $0x0;
	s0 =	rddreg [dreg:$0x2]  }
0xb0: {  	s0 =	sadd.s32 @!p0 $0x100000, s0  }
0xb1: {  	[sflag:s0] =	ssyncadd.tile.s32 @!p0 $0x1;
	_ =	shalt  }
.Lfunc_end2:
_tile_overlayer_lowered:
.L_overlay_start_2:
0xb2: {  	(tag) =	ssettag $0x2  }
0xb3: {  	s0 =	rddreg [dreg:$0x0];
	s2 =	stileid.u32  }
0xb4: {  	s1 =	rddreg [dreg:$0x1];
	p0 =	sne.s32 s2, $0x0  }
0xb5: {  	s3 =	rddreg [dreg:$0x2];
	[bflag:$0x3] =	sbarrier.arrive $0xFFFF;
	s2 =	simm.s32 @!p0 $0x1C03  }
0xb6: {  	[timem:s3], [sflag:s2] =	dma.local @!p0 [hbm:s0], s1  }
0xb7: {  	s0 =	simm.s32 @!p0 $0x3  }
0xb8: {  	_ =	swait.ge @!p0 [sflag:s0], s1  }
0xb9: {  	s1 =	ssub.s32 @!p0 $0x0, s1;
	[sflag:s0] =	ssyncset.done @!p0 $0x0  }
0xba: {  	[sflag:s0] =	ssyncadd.s32 @!p0 s1  }
0xbb: {  	[bflag:$0x3] =	sbarrier.arrive $0xFFFF  }
0xbc: {  	_ =	shalt  }

// kernel: kernel.14.cloned.1.call-start
scs
__scs_entry_jumppad:
0x0: {  	(pc) =	sbr.rel $0x88, $3  }
0x1: {  	(tag) =	ssettag $0x0;
	lr =	simm.s32 $0x1  }
0x2: {  	[smem:$0x3F94] =	sst lr;
	_ =	strace $0xD0000000  }
0x3: {  	_ = 	snop  }
0x4: {  	_ = 	snop  }
0x5: {  	_ = 	snop  }
0x6: {  	_ = 	snop  }
0x7: {  	_ = 	snop  }
__scs_overlays_trampoline_lowered:
0x8: {  	[smem:$0x3FA3] =	sst s0  }
0x9: {  	[smem:$0x3FA4] =	sst s1  }
0xa: {  	[smem:$0x3FA5] =	sst s2  }
0xb: {  	[smem:$0x3FA6] =	sst s3  }
0xc: {  	[smem:$0x3FA7] =	sst s4  }
0xd: {  	[smem:$0x3FA8] =	sst s5  }
0xe: {  	[smem:$0x3FA9] =	sst s6  }
0xf: {  	[smem:$0x3FAA] =	sst s7  }
0x10: {  	[smem:$0x3FAB] =	sst s8  }
0x11: {  	[smem:$0x3FAC] =	sst s9;
	s0 =	simm.s32 @!p0 $0x0  }
0x12: {  	s1 =	sld [smem:$0x3F92];
	s0 =	simm.s32 @p0 $0x1  }
0x13: {  	[smem:$0x3FAD] =	sst s0;
	s0 =	simm.s32 @!p1 $0x0  }
0x14: {  	s2 =	sld [smem:$0x3F91];
	s0 =	simm.s32 @p1 $0x1  }
0x15: {  	[smem:$0x3FAE] =	sst s0;
	s0 =	simm.s32 @!p2 $0x0  }
0x16: {  	s3 =	sld [smem:$0x3FDB];
	s0 =	simm.s32 @p2 $0x1  }
0x17: {  	s4 =	simm.s32 $0x1BF5;
	[smem:$0x3FB0] =	sst s0  }
0x18: {  	s0 =	sld [smem:$0x3F93];
	_ =	swait.ge [sflag:s4], $0x0  }
0x19: {  	s7 =	sld [smem:$0x3F94]  }
0x1a: {  	s8 =	sadd.s32 $0xFFFFE003, lr  }
0x1b: {  	s9 =	sadd.s32 $0xFFFFFEF7, lr;
	s5 =	simm.s32 $0xFFFFFFFF;
	p2 =	slt.u32 s8, $0xFFFFF086  }
0x1c: {  	p1 =	slt.u32 s9, $0xF7A;
	s5 =	simm.s32 @!p2 $0x0  }
0x1d: {  	s5 =	simm.s32 @p1 $0x1;
	p0 =	seq.s32 s7, s2  }
0x1e: {  	s7 =	smul.u32 @!p0 $0xF7A, s2;
	p2 =	seq.s32 @!p0 s5, $0x0  }
0x1f: {  	s9 =	smul.u32 $0xF7A, s1;
	s8 =	simm.s32 @!p0 $0x1BF5;
	p2 =	por !p2, p0  }
0x20: {  	[sflag:s8] =	ssyncset.s32 @!p0 $0xFFFFF086;
	s6 =	sadd.s32 @!p0 s3, s7;
	s7 =	simm.s32 @!p0 $0x108  }
0x21: {  	s3 =	sadd.s32 s3, s9;
	s6 =	sadd.s32 @!p0 $0x88, s6;
	s7 =	simm.s32 @p2 $0x1082  }
0x22: {  	[simem:s7], [sflag:s8] =	dma.local @!p0 [hbm:s6], $0xF7A  }
0x23: {  	s9 =	sor.u32 $0xD0000000, s2;
	s6 =	simm.s32 $0x108;
	_ =	swait.ge @!p0 [sflag:s8], $0x0  }
0x24: {  	s3 =	sadd.s32 $0x88, s3;
	s6 =	simm.s32 @!p1 $0x1082;
	[sflag:s4] =	ssyncset.s32 $0xFFFFF086  }
0x25: {  	[simem:s6], [sflag:s4] =	dma.local [hbm:s3], $0xF7A  }
0x26: {  	[smem:$0x3F94] =	sst s1;
	(tag) =	ssettag s2;
	_ =	strace s9  }
0x27: {  	s1 =	sld [smem:$0x3FA4]  }
0x28: {  	s2 =	sld [smem:$0x3FA5]  }
0x29: {  	s4 =	sld [smem:$0x3FA7]  }
0x2a: {  	p0 =	seq.s32 s5, $0x0;
	s5 =	sld [smem:$0x3FA8]  }
0x2b: {  	s6 =	sld [smem:$0x3FA9]  }
0x2c: {  	s7 =	sld [smem:$0x3FAA]  }
0x2d: {  	s3 =	simm.s32 $0x108;
	s8 =	sld [smem:$0x3FAB]  }
0x2e: {  	s3 =	simm.s32 @!p0 $0x1082;
	s9 =	sld [smem:$0x3FAC]  }
0x2f: {  	lr =	sadd.s32 s0, s3;
	s0 =	sld [smem:$0x3FA3]  }
0x30: {  	s3 =	sld [smem:$0x3FA6]  }
0x31: {  	[smem:$0x3FAF] =	sst s10  }
0x32: {  	s10 =	sld [smem:$0x3FAD];
	_ =	sdelay $0x3  }
0x33: {  	p0 =	seq.s32 s10, $0x1;
	s10 =	sld [smem:$0x3FAF];
	_ =	sdelay $0x3  }
0x34: {  	[smem:$0x3FAF] =	sst s10  }
0x35: {  	s10 =	sld [smem:$0x3FAE];
	_ =	sdelay $0x3  }
0x36: {  	p1 =	seq.s32 s10, $0x1;
	s10 =	sld [smem:$0x3FAF];
	_ =	sdelay $0x3  }
0x37: {  	[smem:$0x3FAF] =	sst s10  }
0x38: {  	s10 =	sld [smem:$0x3FB0]  }
0x39: {  	_ = 	snop;
	(pc) =	sbr.ind lr, $3  }
0x3a: {  	_ = 	snop  }
0x3b: {  	_ = 	snop  }
0x3c: {  	p2 =	seq.s32 s10, $0x1;
	s10 =	sld [smem:$0x3FAF]  }
0x3d: {  	_ =	shalt  }
0x3e: {  	_ =	shalt  }
0x3f: {  	_ =	shalt  }
0x40: {  	_ =	shalt  }
0x41: {  	_ =	shalt  }
0x42: {  	_ =	shalt  }
0x43: {  	_ =	shalt  }
0x44: {  	_ =	shalt  }
0x45: {  	_ =	shalt  }
0x46: {  	_ =	shalt  }
0x47: {  	_ =	shalt  }
0x48: {  	_ =	shalt  }
0x49: {  	_ =	shalt  }
0x4a: {  	_ =	shalt  }
0x4b: {  	_ =	shalt  }
0x4c: {  	_ =	shalt  }
0x4d: {  	_ =	shalt  }
0x4e: {  	_ =	shalt  }
0x4f: {  	_ =	shalt  }
0x50: {  	_ =	shalt  }
0x51: {  	_ =	shalt  }
0x52: {  	_ =	shalt  }
0x53: {  	_ =	shalt  }
0x54: {  	_ =	shalt  }
0x55: {  	_ =	shalt  }
0x56: {  	_ =	shalt  }
0x57: {  	_ =	shalt  }
0x58: {  	_ =	shalt  }
0x59: {  	_ =	shalt  }
0x5a: {  	_ =	shalt  }
0x5b: {  	_ =	shalt  }
0x5c: {  	_ =	shalt  }
0x5d: {  	_ =	shalt  }
0x5e: {  	_ =	shalt  }
0x5f: {  	_ =	shalt  }
0x60: {  	_ =	shalt  }
0x61: {  	_ =	shalt  }
0x62: {  	_ =	shalt  }
0x63: {  	_ =	shalt  }
0x64: {  	_ =	shalt  }
0x65: {  	_ =	shalt  }
0x66: {  	_ =	shalt  }
0x67: {  	_ =	shalt  }
0x68: {  	_ =	shalt  }
0x69: {  	_ =	shalt  }
0x6a: {  	_ =	shalt  }
0x6b: {  	_ =	shalt  }
0x6c: {  	_ =	shalt  }
0x6d: {  	_ =	shalt  }
0x6e: {  	_ =	shalt  }
0x6f: {  	_ =	shalt  }
0x70: {  	_ =	shalt  }
0x71: {  	_ =	shalt  }
0x72: {  	_ =	shalt  }
0x73: {  	_ =	shalt  }
0x74: {  	_ =	shalt  }
0x75: {  	_ =	shalt  }
0x76: {  	_ =	shalt  }
0x77: {  	_ =	shalt  }
0x78: {  	_ =	shalt  }
0x79: {  	_ =	shalt  }
0x7a: {  	_ =	shalt  }
0x7b: {  	_ =	shalt  }
0x7c: {  	_ =	shalt  }
0x7d: {  	_ =	shalt  }
0x7e: {  	_ =	shalt  }
0x7f: {  	_ =	shalt  }
0x80: {  	_ =	shalt  }
0x81: {  	_ =	shalt  }
0x82: {  	_ =	shalt  }
0x83: {  	_ =	shalt  }
0x84: {  	_ =	shalt  }
0x85: {  	_ =	shalt  }
0x86: {  	_ =	shalt  }
0x87: {  	_ =	shalt  }
.Lfunc_end0:
.L_simem_size_0:
called_computation.2_lowered:
.L_overlay_start_0:
0x88: {  	s2 =	sld [smem:$0x3FD9]  }
0x89: {  	s3 =	sld [smem:$0x3FFE];
	_ =	sdelay $0x1  }
0x8a: {  	s1 =	srdreg.scid  }
0x8b: {  	s0 =	sand.u32 $0x1, s1  }
0x8c: {  	s16 =	sshll.u32 s0, $0xA;
	s2 =	sadd.s32 s3, s2  }
0x8d: {  	s2 =	sadd.s32 s2, s16  }
0x8e: {  	[smem:$0x3FBB] =	sst s2  }
0x8f: {  	_ = 	snop  }
0x90: {  	(tm) =	ssettm $0x1  }
0x91: {  	s17 =	sld [smem:$0x3FFB];
	_ =	sdelay $0x3  }
0x92: {  	_ =	strace s17  }
0x93: {  	s2 =	sld [smem:$0x3FFC];
	_ =	sdelay $0x3  }
0x94: {  	_ =	strace s2  }
0x95: {  	s2 =	sld [smem:$0x3FFD];
	_ =	sdelay $0x3  }
0x96: {  	_ =	strace s2  }
0x97: {  	_ =	strace $0x8FFFFFFF  }
0x98: {  	s18 =	sld [smem:$0x3FDB];
	_ =	sdelay $0x1  }
0x99: {  	s19 =	simm.s32 $_scs_section_size  }
0x9a: {  	s4 =	simm.s32 $_size__tile_overlayer_lowered;
	s5 =	simm.s32 $_tile_overlayer_lowered  }
0x9b: {  	s22 =	simm.s32 $0x1BFF;
	s21 =	sshll.u32 s5, $0x1;
	s2 =	sadd.s32 s19, s18  }
0x9c: {  	s6 =	simm.s32 $0x0;
	s20 =	sshll.u32 s4, $0x1;
	s4 =	sadd.s32 s21, s2  }
0x9d: {  	[timem:s6], [sflag:s22] =	dma.local [hbm:s4], s20  }
0x9e: {  	_ =	swait.ge [sflag:s22], s20  }
0x9f: {  	s3 =	ssub.s32 $0x0, s20;
	[sflag:s22] =	ssyncset.done $0x0  }
0xa0: {  	[sflag:s22] =	ssyncadd.s32 s3;
	_ =	sdelay $0x1  }
0xa1: {  	s23 =	simm.s32 $0x1B8B  }
0xa2: {  	_ =	swait.ge [sflag:s23], $0x1  }
0xa3: {  	[sflag:s23] =	ssyncset.done $0x0  }
0xa4: {  	s25 =	simm.s32 $0x1B8E;
	s24 =	sld [smem:$0x3FFE];
	[sflag:s23] =	ssyncadd.s32 $0xFFFFFFFF  }
0xa5: {  	s26 =	simm.s32 $execute0_lowered;
	[smem:$0x3FD2] =	sst s25  }
0xa6: {  	s4 =	sshll.u32 s26, $0x1;
	_ =	strace $0x8000004C;
	[dreg:$0x1] =	wrdreg $0xFFFFFFFF  }
0xa7: {  	s28 =	simm.s32 $_size_execute0_lowered;
	s2 =	sadd.s32 s2, s4;
	[dreg:$0x0] =	wrdreg $0x0  }
0xa8: {  	s4 =	sshll.u32 s28, $0x1;
	[dreg:$0x2] =	wrdreg s2  }
0xa9: {  	[dreg:$0x3] =	wrdreg s4  }
0xaa: {  	[dreg:$0x4] =	wrdreg $0xC0  }
0xab: {  	_ =	task [dreg:s6], $0x5FFFF  }
0xac: {  	[dreg:$0x1] =	wrdreg $0xFFFFFFFF  }
0xad: {  	[dreg:$0x0] =	wrdreg $0x60  }
0xae: {  	[dreg:$0x2] =	wrdreg s24  }
0xaf: {  	[dreg:$0x3] =	wrdreg $0x82000  }
0xb0: {  	[dreg:$0x4] =	wrdreg $0x9  }
0xb1: {  	_ =	task.clear_ibuf [dreg:s6], $0x5FFFF;
	_ =	strace $0x9000004C  }
0xb2: {  	s29 =	simm.s32 $0x9;
	_ =	strace $0x8000004E  }
0xb3: {  	_ =	swait.ge [sflag:s29], $0x1  }
0xb4: {  	[sflag:s29] =	ssyncadd.s32 $0xFFFFFFFF  }
0xb5: {  	_ =	strace $0x9000004E  }
0xb6: {  	_ =	sfence  }
0xb7: {  	s30 =	sld [smem:$0x0];
	_ =	sdelay $0x2  }
0xb8: {  	s31 =	sshll.u32 s1, $0xD;
	s1 =	sshrl.u32 s1, $0x2  }
0xb9: {  	s3 =	sand.u32 $0x4000, s31;
	s1 =	sadd.s32 s1, s30  }
0xba: {  	s0 =	sor.u32 s3, s0;
	s1 =	sshll.u32 s1, $0x11  }
0xbb: {  	s0 =	sor.u32 s1, s0  }
0xbc: {  	s0 =	sadd.s32 $0x8F2B, s0  }
0xbd: {  	[sflag:s0] =	ssyncadd.remote.s32 $0x1  }
0xbe: {  	_ =	sfence.sel $0xFFFF  }
0xbf: {  	[dreg:$0x0] =	wrdreg $0xFFFFFFFF;
	(pc) =	sbr.abs _section_cstart, $3  }
0xc0: {  	[dreg:$0x1] =	wrdreg $0xFFFFFFFF  }
0xc1: {  	_ =	task.clear_ibuf [dreg:s6], $0x2FFFF;
	_ =	strace $0x9FFFFFFF  }
0xc2: {  	(tm) =	ssettm $0x7FFFFFFF  }
0xc3: {  	_ =	shalt  }
tec
execute0_lowered:
.L_overlay_start_1:
0x0: {  	(tag) =	ssettag $0x1  }
0x1: {  	s5 =	rddreg [dreg:$0x0]  }
0x2: {  	s1 =	rddreg [dreg:$0x1]  }
0x3: {  	s2 =	srdreg.scid;
	s3 =	simm.s32 $0x0;
	s20 =	simm.s32 $0x80  }
0x4: {  	s21 =	simm.s32 $0x100;
	s22 =	simm.s32 $0x180;
	s6 =	sand.u32 $0x1, s2  }
0x5: {  	s23 =	simm.s32 $0x4200;
	s2 =	stileid.u32;
	s4 =	smul.u32 $0x13C000, s6  }
0x6: {  	s24 =	simm.s32 $0x1;
	[smem:$0x7FF] =	sst s3;
	s7 =	smul.u32 $0x13C00, s2  }
0x7: {  	s16 =	sadd.s32 $0x18200, s5;
	s17 =	sadd.s32 $0x3A00, s5;
	s10 =	smul.u32 $0x4F000, s2  }
0x8: {  	_ =	strace $0x8000004D;
	s25 =	ssub.s32 $0x2, s6;
	s29 =	smul.u32 $0x9E, s2  }
0x9: {  	s28 =	sshll.u32 s2, $0x1;
	s11 =	smul.u32 $0x4F, s6;
	s9 =	sshrl.u32 s25, $0x1  }
0xa: {  	s30 =	sor.u32 s6, s28;
	s4 =	sadd.s32 s7, s4;
	s13 =	ssub.s32 s25, s9  }
0xb: {  	s26 =	sshrl.u32 s10, $0x2;
	s14 =	smul.u32 $0x4F0, s30;
	s15 =	sadd.s32 s11, s29  }
0xc: {  	s25 =	simm.s32 $0x2;
	s8 =	sshrl.u32 s4, $0x3;
	s4 =	sadd.s32 $0x22000, s5  }
0xd: {  	s15 =	sshll.u32 s15, $0x4;
	s13 =	smax.u32 s13, $0x1;
	s12 =	sadd.s32 s8, s5  }
0xe: {  	s5 =	sadd.s32 s26, s1;
	s10 =	sadd.s32 s16, s14;
	s11 =	sadd.s32 s17, s14  }
0xf: {  	s31 =	sadd.s32 s15, s16;
	s18 =	sadd.s32 s15, s17;
	s19 =	sadd.s32 $0x10, s15  }
0x10: {  	s26 =	simm.s32 $0x0;
	s6 =	sadd.s32 $0x4000, s5;
	s7 =	sadd.s32 $0x8000, s5  }
0x11: {  	s8 =	sadd.s32 $0xC000, s5;
	s9 =	sadd.s32 $0x10000, s5;
	s12 =	sadd.s32 $0x49800, s12  }
0x12: {  	s14 =	sadd.s32 $0x20, s31;
	s15 =	sadd.s32 $0x20, s18;
	s16 =	sadd.s32 s19, s16  }
0x13: {  	v0 =	vimm.f32 $0.0e+00;
	s17 =	sadd.s32 s19, s17;
	s18 =	simm.s32 $0x200;
	s19 =	simm.s32 $0x3  }
.LBB2_1:
0x14: {  	s28 =	sand.u32 $0xFE00, s3  }
0x15: {  	s29 =	sand.u32 $0x70, s3;
	s30 =	sshrl.u32 s28, $0x2  }
0x16: {  	s28 =	simm.s32 $0x40;
	s30 =	sor.u32 s29, s30;
	s29 =	simm.s32 $0x0  }
.LBB2_2:
0x17: {  	p0 =	sne.s32 s28, $0xFFC0  }
0x18: {  	[tilespmem:s30+$0x200] =	vst v0;
	s29 =	sadd.s32 $0x10, s29;
	s30 =	smov.u32 s28;
	s28 =	sadd.s32 $0x40, s28  }
.Ltmp0:
0x19: {  	(pc) =	sbr.rel @p0 .LBB2_2-.Ltmp0, $4  }
0x1a: {  	_ = 	snop  }
0x1b: {  	s30 =	sand.u32 $0xFE00, s30  }
0x1c: {  	s31 =	sand.u32 $0x70, s29;
	s30 =	sshrl.u32 s30, $0x2  }
0x1d: {  	s30 =	sor.u32 s31, s30  }
0x1e: {  	[tilespmem:s30+$0x200] =	vst v0  }
0x1f: {  	[spmem:s5] =	stream.linear.scatter [tilespmem:s18], [sflag:$0x3], $0x4000, $0x38;
	[tilespmem:$0x1BE00] =	vst v63  }
0x20: {  	_ =	swait.ge [sflag:s19], $0x4000  }
0x21: {  	[sflag:s19] =	ssyncset.done $0x0  }
0x22: {  	[sflag:s19] =	ssyncadd.s32 $0xFFFFC000  }
0x23: {  	[spmem:s6] =	stream.linear.scatter [tilespmem:s18], [sflag:$0x3], $0x4000, $0x38;
	[tilespmem:$0x1BE00] =	vst v63  }
0x24: {  	_ =	swait.ge [sflag:s19], $0x4000  }
0x25: {  	[sflag:s19] =	ssyncset.done $0x0  }
0x26: {  	[sflag:s19] =	ssyncadd.s32 $0xFFFFC000  }
0x27: {  	[spmem:s7] =	stream.linear.scatter [tilespmem:s18], [sflag:$0x3], $0x4000, $0x38;
	[tilespmem:$0x1BE00] =	vst v63  }
0x28: {  	_ =	swait.ge [sflag:s19], $0x4000  }
0x29: {  	[sflag:s19] =	ssyncset.done $0x0  }
0x2a: {  	[sflag:s19] =	ssyncadd.s32 $0xFFFFC000  }
0x2b: {  	[spmem:s8] =	stream.linear.scatter [tilespmem:s18], [sflag:$0x3], $0x4000, $0x38;
	[tilespmem:$0x1BE00] =	vst v63  }
0x2c: {  	_ =	swait.ge [sflag:s19], $0x4000  }
0x2d: {  	[sflag:s19] =	ssyncset.done $0x0  }
0x2e: {  	[sflag:s19] =	ssyncadd.s32 $0xFFFFC000  }
0x2f: {  	[spmem:s9] =	stream.linear.scatter [tilespmem:s18], [sflag:$0x3], $0x3C00, $0x38;
	[tilespmem:$0x1BE00] =	vst v63  }
0x30: {  	_ =	swait.ge [sflag:s19], $0x3C00  }
0x31: {  	[sflag:s19] =	ssyncset.done $0x0  }
0x32: {  	[sflag:s19] =	ssyncadd.s32 $0xFFFFC400  }
0x33: {  	s28 =	simm.s32 $0x0;
	[bflag:$0x0] =	sbarrier.arrive $0xFFFF  }
0x34: {  	[tilespmem:s28], [sflag:$0x3] =	stream.linear.gather [hbm4b:s10+s28], $0x80, $0x38;
	[tilespmem:$0x1BE00] =	vst v63  }
0x35: {  	_ =	swait.ge [sflag:s19], $0x80  }
0x36: {  	[sflag:s19] =	ssyncset.done $0x0  }
0x37: {  	[sflag:s19] =	ssyncadd.s32 $0xFFFFFF80  }
0x38: {  	[tilespmem:s20], [sflag:$0x3] =	stream.linear.gather [hbm4b:s11+s28], $0x80, $0x38;
	[tilespmem:$0x1BE00] =	vst v63  }
0x39: {  	_ =	swait.ge [sflag:s19], $0x80  }
0x3a: {  	[sflag:s19] =	ssyncset.done $0x0  }
0x3b: {  	[sflag:s19] =	ssyncadd.s32 $0xFFFFFF80  }
0x3c: {  	[tilespmem:s18], [sflag:$0x1] =	stream.indirect.gather [hbm4b:s4+s20], $0x80, s28, s20, $0xb8;
	[tilespmem:$0x1BE00] =	vst v63  }
0x3d: {  	s28 =	sadd.s32 $0x0, s16  }
0x3e: {  	[tilespmem:s21], [sflag:$0x3] =	stream.linear.gather [hbm4b:s28+s3], $0x80, $0x38;
	[tilespmem:$0x1BE00] =	vst v63  }
0x3f: {  	_ =	swait.ge [sflag:s19], $0x80  }
0x40: {  	[sflag:s19] =	ssyncset.done $0x0  }
0x41: {  	s28 =	sadd.s32 $0x0, s17;
	[sflag:s19] =	ssyncadd.s32 $0xFFFFFF80  }
0x42: {  	[tilespmem:s22], [sflag:$0x3] =	stream.linear.gather [hbm4b:s28+s3], $0x80, $0x38;
	[tilespmem:$0x1BE00] =	vst v63  }
0x43: {  	_ =	swait.ge [sflag:s19], $0x80  }
0x44: {  	[sflag:s19] =	ssyncset.done $0x0  }
0x45: {  	[sflag:s19] =	ssyncadd.s32 $0xFFFFFF80  }
0x46: {  	[tilespmem:s23], [sflag:$0x2] =	stream.indirect.gather [hbm4b:s4+s20], $0x80, s21, s20, $0xb8;
	[tilespmem:$0x1BE00] =	vst v63  }
0x47: {  	_ =	swait.ge [sflag:s24], $0x4000  }
0x48: {  	[sflag:s24] =	ssyncset.done $0x0  }
0x49: {  	[sflag:s24] =	ssyncadd.s32 $0xFFFFC000  }
0x4a: {  	[spmem:s1] =	stream.indirect.scatter.add.f32 [tilespmem:s18], [sflag:$0x3], $0x80, s20, s20, $0xb8;
	[tilespmem:$0x1BE00] =	vst v63  }
0x4b: {  	_ =	swait.ge [sflag:s19], $0x4000  }
0x4c: {  	[sflag:s19] =	ssyncset.done $0x0  }
0x4d: {  	s28 =	sadd.s32 $0x0, s14;
	[sflag:s19] =	ssyncadd.s32 $0xFFFFC000  }
0x4e: {  	[tilespmem:s3], [sflag:$0x3] =	stream.linear.gather [hbm4b:s28+s3], $0x80, $0x38;
	[tilespmem:$0x1BE00] =	vst v63  }
0x4f: {  	_ =	swait.ge [sflag:s19], $0x80  }
0x50: {  	[sflag:s19] =	ssyncset.done $0x0  }
0x51: {  	s28 =	sadd.s32 $0x0, s15;
	[sflag:s19] =	ssyncadd.s32 $0xFFFFFF80  }
0x52: {  	[tilespmem:s20], [sflag:$0x3] =	stream.linear.gather [hbm4b:s28+s3], $0x80, $0x38;
	[tilespmem:$0x1BE00] =	vst v63  }
0x53: {  	_ =	swait.ge [sflag:s19], $0x80  }
0x54: {  	[sflag:s19] =	ssyncset.done $0x0  }
0x55: {  	[sflag:s19] =	ssyncadd.s32 $0xFFFFFF80  }
0x56: {  	[tilespmem:s18], [sflag:$0x1] =	stream.indirect.gather [hbm4b:s4+s20], $0x80, s3, s20, $0xb8;
	[tilespmem:$0x1BE00] =	vst v63  }
0x57: {  	_ =	swait.ge [sflag:s25], $0x4000  }
0x58: {  	[sflag:s25] =	ssyncset.done $0x0  }
0x59: {  	[sflag:s25] =	ssyncadd.s32 $0xFFFFC000  }
0x5a: {  	[spmem:s1] =	stream.indirect.scatter.add.f32 [tilespmem:s23], [sflag:$0x3], $0x80, s22, s20, $0xb8;
	[tilespmem:$0x1BE00] =	vst v63  }
0x5b: {  	_ =	swait.ge [sflag:s19], $0x4000  }
0x5c: {  	s30 =	simm.s32 $0x40;
	s28 =	simm.s32 $0x20;
	[sflag:s19] =	ssyncset.done $0x0  }
.LBB2_4:
0x5d: {  	s31 =	sadd.s32 s28, s16  }
0x5e: {  	[sflag:s19] =	ssyncadd.s32 $0xFFFFC000;
	s0 =	smov.u32 s30;
	s29 =	sadd.s32 $0x20, s30  }
0x5f: {  	[tilespmem:s21], [sflag:$0x3] =	stream.linear.gather [hbm4b:s31+s3], $0x80, $0x38;
	[tilespmem:$0x1BE00] =	vst v63  }
0x60: {  	p0 =	sne.s32 s30, $0x4C0;
	_ =	swait.ge [sflag:s19], $0x80  }
0x61: {  	[sflag:s19] =	ssyncset.done $0x0  }
0x62: {  	s30 =	sadd.s32 s28, s17;
	[sflag:s19] =	ssyncadd.s32 $0xFFFFFF80  }
0x63: {  	[tilespmem:s22], [sflag:$0x3] =	stream.linear.gather [hbm4b:s30+s3], $0x80, $0x38;
	[tilespmem:$0x1BE00] =	vst v63  }
0x64: {  	_ =	swait.ge [sflag:s19], $0x80  }
0x65: {  	[sflag:s19] =	ssyncset.done $0x0  }
0x66: {  	[sflag:s19] =	ssyncadd.s32 $0xFFFFFF80  }
0x67: {  	[tilespmem:s23], [sflag:$0x2] =	stream.indirect.gather [hbm4b:s4+s20], $0x80, s21, s20, $0xb8;
	[tilespmem:$0x1BE00] =	vst v63  }
0x68: {  	_ =	swait.ge [sflag:s24], $0x4000  }
0x69: {  	[sflag:s24] =	ssyncset.done $0x0  }
0x6a: {  	[sflag:s24] =	ssyncadd.s32 $0xFFFFC000  }
0x6b: {  	[spmem:s1] =	stream.indirect.scatter.add.f32 [tilespmem:s18], [sflag:$0x3], $0x80, s20, s20, $0xb8;
	[tilespmem:$0x1BE00] =	vst v63  }
0x6c: {  	_ =	swait.ge [sflag:s19], $0x4000  }
0x6d: {  	[sflag:s19] =	ssyncset.done $0x0  }
0x6e: {  	s30 =	sadd.s32 s28, s14;
	[sflag:s19] =	ssyncadd.s32 $0xFFFFC000  }
0x6f: {  	[tilespmem:s3], [sflag:$0x3] =	stream.linear.gather [hbm4b:s30+s3], $0x80, $0x38;
	[tilespmem:$0x1BE00] =	vst v63  }
0x70: {  	_ =	swait.ge [sflag:s19], $0x80  }
0x71: {  	[sflag:s19] =	ssyncset.done $0x0  }
0x72: {  	s30 =	sadd.s32 s28, s15;
	s28 =	smov.u32 s0;
	[sflag:s19] =	ssyncadd.s32 $0xFFFFFF80  }
0x73: {  	[tilespmem:s20], [sflag:$0x3] =	stream.linear.gather [hbm4b:s30+s3], $0x80, $0x38;
	[tilespmem:$0x1BE00] =	vst v63  }
0x74: {  	_ =	swait.ge [sflag:s19], $0x80  }
0x75: {  	[sflag:s19] =	ssyncset.done $0x0  }
0x76: {  	[sflag:s19] =	ssyncadd.s32 $0xFFFFFF80  }
0x77: {  	[tilespmem:s18], [sflag:$0x1] =	stream.indirect.gather [hbm4b:s4+s20], $0x80, s3, s20, $0xb8;
	[tilespmem:$0x1BE00] =	vst v63  }
0x78: {  	_ =	swait.ge [sflag:s25], $0x4000  }
.Ltmp1:
0x79: {  	[sflag:s25] =	ssyncset.done $0x0;
	(pc) =	sbr.rel @p0 .LBB2_4-.Ltmp1, $4  }
0x7a: {  	[sflag:s25] =	ssyncadd.s32 $0xFFFFC000  }
0x7b: {  	[spmem:s1] =	stream.indirect.scatter.add.f32 [tilespmem:s23], [sflag:$0x3], $0x80, s22, s20, $0xb8;
	[tilespmem:$0x1BE00] =	vst v63  }
0x7c: {  	_ =	swait.ge [sflag:s19], $0x4000  }
0x7d: {  	s30 =	smov.u32 s29;
	[sflag:s19] =	ssyncset.done $0x0  }
0x7e: {  	s0 =	sadd.s32 s28, s16;
	[sflag:s19] =	ssyncadd.s32 $0xFFFFC000  }
0x7f: {  	[tilespmem:s21], [sflag:$0x3] =	stream.linear.gather [hbm4b:s0+s3], $0x80, $0x38;
	[tilespmem:$0x1BE00] =	vst v63  }
0x80: {  	_ =	swait.ge [sflag:s19], $0x80  }
0x81: {  	[sflag:s19] =	ssyncset.done $0x0  }
0x82: {  	s30 =	sadd.s32 s28, s17;
	[sflag:s19] =	ssyncadd.s32 $0xFFFFFF80  }
0x83: {  	[tilespmem:s22], [sflag:$0x3] =	stream.linear.gather [hbm4b:s30+s3], $0x80, $0x38;
	[tilespmem:$0x1BE00] =	vst v63  }
0x84: {  	_ =	swait.ge [sflag:s19], $0x80  }
0x85: {  	[sflag:s19] =	ssyncset.done $0x0  }
0x86: {  	[sflag:s19] =	ssyncadd.s32 $0xFFFFFF80  }
0x87: {  	[tilespmem:s23], [sflag:$0x2] =	stream.indirect.gather [hbm4b:s4+s20], $0x80, s21, s20, $0xb8;
	[tilespmem:$0x1BE00] =	vst v63  }
0x88: {  	_ =	swait.ge [sflag:s24], $0x4000  }
0x89: {  	[sflag:s24] =	ssyncset.done $0x0  }
0x8a: {  	[sflag:s24] =	ssyncadd.s32 $0xFFFFC000  }
0x8b: {  	[spmem:s1] =	stream.indirect.scatter.add.f32 [tilespmem:s18], [sflag:$0x3], $0x80, s20, s20, $0xb8;
	[tilespmem:$0x1BE00] =	vst v63  }
0x8c: {  	_ =	swait.ge [sflag:s19], $0x4000  }
0x8d: {  	[sflag:s19] =	ssyncset.done $0x0  }
0x8e: {  	s31 =	sadd.s32 s28, s14;
	[sflag:s19] =	ssyncadd.s32 $0xFFFFC000  }
0x8f: {  	[tilespmem:s3], [sflag:$0x3] =	stream.linear.gather [hbm4b:s31+s3], $0x80, $0x38;
	[tilespmem:$0x1BE00] =	vst v63  }
0x90: {  	_ =	swait.ge [sflag:s19], $0x80  }
0x91: {  	[sflag:s19] =	ssyncset.done $0x0  }
0x92: {  	s29 =	sadd.s32 s28, s15;
	[sflag:s19] =	ssyncadd.s32 $0xFFFFFF80  }
0x93: {  	[tilespmem:s20], [sflag:$0x3] =	stream.linear.gather [hbm4b:s29+s3], $0x80, $0x38;
	[tilespmem:$0x1BE00] =	vst v63  }
0x94: {  	_ =	swait.ge [sflag:s19], $0x80  }
0x95: {  	[sflag:s19] =	ssyncset.done $0x0  }
0x96: {  	[sflag:s19] =	ssyncadd.s32 $0xFFFFFF80  }
0x97: {  	[tilespmem:s18], [sflag:$0x1] =	stream.indirect.gather [hbm4b:s4+s20], $0x80, s3, s20, $0xb8;
	[tilespmem:$0x1BE00] =	vst v63  }
0x98: {  	_ =	swait.ge [sflag:s25], $0x4000  }
0x99: {  	[sflag:s25] =	ssyncset.done $0x0  }
0x9a: {  	[sflag:s25] =	ssyncadd.s32 $0xFFFFC000  }
0x9b: {  	[spmem:s1] =	stream.indirect.scatter.add.f32 [tilespmem:s23], [sflag:$0x3], $0x80, s22, s20, $0xb8;
	[tilespmem:$0x1BE00] =	vst v63  }
0x9c: {  	_ =	swait.ge [sflag:s19], $0x4000  }
0x9d: {  	[sflag:s19] =	ssyncset.done $0x0  }
0x9e: {  	[sflag:s19] =	ssyncadd.s32 $0xFFFFC000  }
0x9f: {  	_ =	swait.ge [sflag:s24], $0x4000  }
0xa0: {  	[sflag:s24] =	ssyncset.done $0x0  }
0xa1: {  	[sflag:s24] =	ssyncadd.s32 $0xFFFFC000  }
0xa2: {  	[spmem:s1] =	stream.indirect.scatter.add.f32 [tilespmem:s18], [sflag:$0x3], $0x80, s20, s20, $0xb8;
	[tilespmem:$0x1BE00] =	vst v63  }
0xa3: {  	_ =	swait.ge [sflag:s19], $0x4000  }
0xa4: {  	s26 =	sadd.s32 $0x1, s26;
	s30 =	sshll.u32 s2, $0x6;
	[sflag:s19] =	ssyncset.done $0x0  }
0xa5: {  	p0 =	sne.s32 s26, s13;
	s0 =	sor.u32 $0x1C03, s30;
	[sflag:s19] =	ssyncadd.s32 $0xFFFFC000  }
.Ltmp2:
0xa6: {  	s31 =	sshrl.u32 s5, $0x3;
	[bflag:$0x0] =	sbarrier.arrive $0xFFFF;
	(pc) =	sbr.rel @p0 .LBB2_1-.Ltmp2, $4  }
0xa7: {  	[hbm:s12], [sflag:s0] =	dma.local [spmem:s31], $0x2780  }
0xa8: {  	_ =	swait.ge [sflag:s19], $0x2780  }
0xa9: {  	[sflag:s19] =	ssyncset.done $0x0  }
0xaa: {  	[sflag:s19] =	ssyncadd.s32 $0xFFFFD880  }
0xab: {  	_ =	sfence.sel $0x180000  }
0xac: {  	[bflag:$0x0] =	sbarrier.arrive $0xFFFF  }
0xad: {  	_ =	strace $0x9000004D  }
0xae: {  	[bflag:$0x2] =	sbarrier.arrive $0xFFFF  }
0xaf: {  	p0 =	sne.s32 s2, $0x0;
	s0 =	rddreg [dreg:$0x2]  }
0xb0: {  	s0 =	sadd.s32 @!p0 $0x100000, s0  }
0xb1: {  	[sflag:s0] =	ssyncadd.tile.s32 @!p0 $0x1;
	_ =	shalt  }
.Lfunc_end2:
_tile_overlayer_lowered:
.L_overlay_start_2:
0xb2: {  	(tag) =	ssettag $0x2  }
0xb3: {  	s0 =	rddreg [dreg:$0x0];
	s2 =	stileid.u32  }
0xb4: {  	s1 =	rddreg [dreg:$0x1];
	p0 =	sne.s32 s2, $0x0  }
0xb5: {  	s3 =	rddreg [dreg:$0x2];
	[bflag:$0x3] =	sbarrier.arrive $0xFFFF;
	s2 =	simm.s32 @!p0 $0x1C03  }
0xb6: {  	[timem:s3], [sflag:s2] =	dma.local @!p0 [hbm:s0], s1  }
0xb7: {  	s0 =	simm.s32 @!p0 $0x3  }
0xb8: {  	_ =	swait.ge @!p0 [sflag:s0], s1  }
0xb9: {  	s1 =	ssub.s32 @!p0 $0x0, s1;
	[sflag:s0] =	ssyncset.done @!p0 $0x0  }
0xba: {  	[sflag:s0] =	ssyncadd.s32 @!p0 s1  }
0xbb: {  	[bflag:$0x3] =	sbarrier.arrive $0xFFFF  }
0xbc: {  	_ =	shalt  }

// kernel: kernel.8.cloned.1.call-start
scs
__scs_entry_jumppad:
0x0: {  	(pc) =	sbr.rel $0x88, $3  }
0x1: {  	(tag) =	ssettag $0x0;
	lr =	simm.s32 $0x1  }
0x2: {  	[smem:$0x3F94] =	sst lr;
	_ =	strace $0xD0000000  }
0x3: {  	_ = 	snop  }
0x4: {  	_ = 	snop  }
0x5: {  	_ = 	snop  }
0x6: {  	_ = 	snop  }
0x7: {  	_ = 	snop  }
__scs_overlays_trampoline_lowered:
0x8: {  	[smem:$0x3FA3] =	sst s0  }
0x9: {  	[smem:$0x3FA4] =	sst s1  }
0xa: {  	[smem:$0x3FA5] =	sst s2  }
0xb: {  	[smem:$0x3FA6] =	sst s3  }
0xc: {  	[smem:$0x3FA7] =	sst s4  }
0xd: {  	[smem:$0x3FA8] =	sst s5  }
0xe: {  	[smem:$0x3FA9] =	sst s6  }
0xf: {  	[smem:$0x3FAA] =	sst s7  }
0x10: {  	[smem:$0x3FAB] =	sst s8  }
0x11: {  	[smem:$0x3FAC] =	sst s9;
	s0 =	simm.s32 @!p0 $0x0  }
0x12: {  	s1 =	sld [smem:$0x3F92];
	s0 =	simm.s32 @p0 $0x1  }
0x13: {  	[smem:$0x3FAD] =	sst s0;
	s0 =	simm.s32 @!p1 $0x0  }
0x14: {  	s2 =	sld [smem:$0x3F91];
	s0 =	simm.s32 @p1 $0x1  }
0x15: {  	[smem:$0x3FAE] =	sst s0;
	s0 =	simm.s32 @!p2 $0x0  }
0x16: {  	s3 =	sld [smem:$0x3FDB];
	s0 =	simm.s32 @p2 $0x1  }
0x17: {  	s4 =	simm.s32 $0x1BF5;
	[smem:$0x3FB0] =	sst s0  }
0x18: {  	s0 =	sld [smem:$0x3F93];
	_ =	swait.ge [sflag:s4], $0x0  }
0x19: {  	s7 =	sld [smem:$0x3F94]  }
0x1a: {  	s8 =	sadd.s32 $0xFFFFE003, lr  }
0x1b: {  	s9 =	sadd.s32 $0xFFFFFEF7, lr;
	s5 =	simm.s32 $0xFFFFFFFF;
	p2 =	slt.u32 s8, $0xFFFFF086  }
0x1c: {  	p1 =	slt.u32 s9, $0xF7A;
	s5 =	simm.s32 @!p2 $0x0  }
0x1d: {  	s5 =	simm.s32 @p1 $0x1;
	p0 =	seq.s32 s7, s2  }
0x1e: {  	s7 =	smul.u32 @!p0 $0xF7A, s2;
	p2 =	seq.s32 @!p0 s5, $0x0  }
0x1f: {  	s9 =	smul.u32 $0xF7A, s1;
	s8 =	simm.s32 @!p0 $0x1BF5;
	p2 =	por !p2, p0  }
0x20: {  	[sflag:s8] =	ssyncset.s32 @!p0 $0xFFFFF086;
	s6 =	sadd.s32 @!p0 s3, s7;
	s7 =	simm.s32 @!p0 $0x108  }
0x21: {  	s3 =	sadd.s32 s3, s9;
	s6 =	sadd.s32 @!p0 $0x88, s6;
	s7 =	simm.s32 @p2 $0x1082  }
0x22: {  	[simem:s7], [sflag:s8] =	dma.local @!p0 [hbm:s6], $0xF7A  }
0x23: {  	s9 =	sor.u32 $0xD0000000, s2;
	s6 =	simm.s32 $0x108;
	_ =	swait.ge @!p0 [sflag:s8], $0x0  }
0x24: {  	s3 =	sadd.s32 $0x88, s3;
	s6 =	simm.s32 @!p1 $0x1082;
	[sflag:s4] =	ssyncset.s32 $0xFFFFF086  }
0x25: {  	[simem:s6], [sflag:s4] =	dma.local [hbm:s3], $0xF7A  }
0x26: {  	[smem:$0x3F94] =	sst s1;
	(tag) =	ssettag s2;
	_ =	strace s9  }
0x27: {  	s1 =	sld [smem:$0x3FA4]  }
0x28: {  	s2 =	sld [smem:$0x3FA5]  }
0x29: {  	s4 =	sld [smem:$0x3FA7]  }
0x2a: {  	p0 =	seq.s32 s5, $0x0;
	s5 =	sld [smem:$0x3FA8]  }
0x2b: {  	s6 =	sld [smem:$0x3FA9]  }
0x2c: {  	s7 =	sld [smem:$0x3FAA]  }
0x2d: {  	s3 =	simm.s32 $0x108;
	s8 =	sld [smem:$0x3FAB]  }
0x2e: {  	s3 =	simm.s32 @!p0 $0x1082;
	s9 =	sld [smem:$0x3FAC]  }
0x2f: {  	lr =	sadd.s32 s0, s3;
	s0 =	sld [smem:$0x3FA3]  }
0x30: {  	s3 =	sld [smem:$0x3FA6]  }
0x31: {  	[smem:$0x3FAF] =	sst s10  }
0x32: {  	s10 =	sld [smem:$0x3FAD];
	_ =	sdelay $0x3  }
0x33: {  	p0 =	seq.s32 s10, $0x1;
	s10 =	sld [smem:$0x3FAF];
	_ =	sdelay $0x3  }
0x34: {  	[smem:$0x3FAF] =	sst s10  }
0x35: {  	s10 =	sld [smem:$0x3FAE];
	_ =	sdelay $0x3  }
0x36: {  	p1 =	seq.s32 s10, $0x1;
	s10 =	sld [smem:$0x3FAF];
	_ =	sdelay $0x3  }
0x37: {  	[smem:$0x3FAF] =	sst s10  }
0x38: {  	s10 =	sld [smem:$0x3FB0]  }
0x39: {  	_ = 	snop;
	(pc) =	sbr.ind lr, $3  }
0x3a: {  	_ = 	snop  }
0x3b: {  	_ = 	snop  }
0x3c: {  	p2 =	seq.s32 s10, $0x1;
	s10 =	sld [smem:$0x3FAF]  }
0x3d: {  	_ =	shalt  }
0x3e: {  	_ =	shalt  }
0x3f: {  	_ =	shalt  }
0x40: {  	_ =	shalt  }
0x41: {  	_ =	shalt  }
0x42: {  	_ =	shalt  }
0x43: {  	_ =	shalt  }
0x44: {  	_ =	shalt  }
0x45: {  	_ =	shalt  }
0x46: {  	_ =	shalt  }
0x47: {  	_ =	shalt  }
0x48: {  	_ =	shalt  }
0x49: {  	_ =	shalt  }
0x4a: {  	_ =	shalt  }
0x4b: {  	_ =	shalt  }
0x4c: {  	_ =	shalt  }
0x4d: {  	_ =	shalt  }
0x4e: {  	_ =	shalt  }
0x4f: {  	_ =	shalt  }
0x50: {  	_ =	shalt  }
0x51: {  	_ =	shalt  }
0x52: {  	_ =	shalt  }
0x53: {  	_ =	shalt  }
0x54: {  	_ =	shalt  }
0x55: {  	_ =	shalt  }
0x56: {  	_ =	shalt  }
0x57: {  	_ =	shalt  }
0x58: {  	_ =	shalt  }
0x59: {  	_ =	shalt  }
0x5a: {  	_ =	shalt  }
0x5b: {  	_ =	shalt  }
0x5c: {  	_ =	shalt  }
0x5d: {  	_ =	shalt  }
0x5e: {  	_ =	shalt  }
0x5f: {  	_ =	shalt  }
0x60: {  	_ =	shalt  }
0x61: {  	_ =	shalt  }
0x62: {  	_ =	shalt  }
0x63: {  	_ =	shalt  }
0x64: {  	_ =	shalt  }
0x65: {  	_ =	shalt  }
0x66: {  	_ =	shalt  }
0x67: {  	_ =	shalt  }
0x68: {  	_ =	shalt  }
0x69: {  	_ =	shalt  }
0x6a: {  	_ =	shalt  }
0x6b: {  	_ =	shalt  }
0x6c: {  	_ =	shalt  }
0x6d: {  	_ =	shalt  }
0x6e: {  	_ =	shalt  }
0x6f: {  	_ =	shalt  }
0x70: {  	_ =	shalt  }
0x71: {  	_ =	shalt  }
0x72: {  	_ =	shalt  }
0x73: {  	_ =	shalt  }
0x74: {  	_ =	shalt  }
0x75: {  	_ =	shalt  }
0x76: {  	_ =	shalt  }
0x77: {  	_ =	shalt  }
0x78: {  	_ =	shalt  }
0x79: {  	_ =	shalt  }
0x7a: {  	_ =	shalt  }
0x7b: {  	_ =	shalt  }
0x7c: {  	_ =	shalt  }
0x7d: {  	_ =	shalt  }
0x7e: {  	_ =	shalt  }
0x7f: {  	_ =	shalt  }
0x80: {  	_ =	shalt  }
0x81: {  	_ =	shalt  }
0x82: {  	_ =	shalt  }
0x83: {  	_ =	shalt  }
0x84: {  	_ =	shalt  }
0x85: {  	_ =	shalt  }
0x86: {  	_ =	shalt  }
0x87: {  	_ =	shalt  }
.Lfunc_end0:
.L_simem_size_0:
called_computation_lowered:
.L_overlay_start_0:
0x88: {  	s2 =	sld [smem:$0x3FD9]  }
0x89: {  	s3 =	sld [smem:$0x3FFE];
	_ =	sdelay $0x1  }
0x8a: {  	s1 =	srdreg.scid  }
0x8b: {  	s0 =	sand.u32 $0x1, s1  }
0x8c: {  	s16 =	sshll.u32 s0, $0xA;
	s2 =	sadd.s32 s3, s2  }
0x8d: {  	s2 =	sadd.s32 s2, s16  }
0x8e: {  	[smem:$0x3FBB] =	sst s2  }
0x8f: {  	_ = 	snop  }
0x90: {  	(tm) =	ssettm $0x1  }
0x91: {  	s17 =	sld [smem:$0x3FFB];
	_ =	sdelay $0x3  }
0x92: {  	_ =	strace s17  }
0x93: {  	s2 =	sld [smem:$0x3FFC];
	_ =	sdelay $0x3  }
0x94: {  	_ =	strace s2  }
0x95: {  	s2 =	sld [smem:$0x3FFD];
	_ =	sdelay $0x3  }
0x96: {  	_ =	strace s2  }
0x97: {  	_ =	strace $0x8FFFFFFF  }
0x98: {  	s18 =	sld [smem:$0x3FDB];
	_ =	sdelay $0x1  }
0x99: {  	s19 =	simm.s32 $_scs_section_size  }
0x9a: {  	s4 =	simm.s32 $_size__tile_overlayer_lowered;
	s5 =	simm.s32 $_tile_overlayer_lowered  }
0x9b: {  	s22 =	simm.s32 $0x1BFF;
	s21 =	sshll.u32 s5, $0x1;
	s2 =	sadd.s32 s19, s18  }
0x9c: {  	s6 =	simm.s32 $0x0;
	s20 =	sshll.u32 s4, $0x1;
	s4 =	sadd.s32 s21, s2  }
0x9d: {  	[timem:s6], [sflag:s22] =	dma.local [hbm:s4], s20  }
0x9e: {  	_ =	swait.ge [sflag:s22], s20  }
0x9f: {  	s3 =	ssub.s32 $0x0, s20;
	[sflag:s22] =	ssyncset.done $0x0  }
0xa0: {  	[sflag:s22] =	ssyncadd.s32 s3;
	_ =	sdelay $0x1  }
0xa1: {  	s23 =	simm.s32 $0x1B8B  }
0xa2: {  	_ =	swait.ge [sflag:s23], $0x1  }
0xa3: {  	[sflag:s23] =	ssyncset.done $0x0  }
0xa4: {  	s25 =	simm.s32 $0x1B8E;
	s24 =	sld [smem:$0x3FFE];
	[sflag:s23] =	ssyncadd.s32 $0xFFFFFFFF  }
0xa5: {  	s26 =	simm.s32 $execute0_lowered;
	[smem:$0x3FD2] =	sst s25  }
0xa6: {  	s4 =	sshll.u32 s26, $0x1;
	_ =	strace $0x80000046;
	[dreg:$0x1] =	wrdreg $0xFFFFFFFF  }
0xa7: {  	s28 =	simm.s32 $_size_execute0_lowered;
	s2 =	sadd.s32 s2, s4;
	[dreg:$0x0] =	wrdreg $0x0  }
0xa8: {  	s4 =	sshll.u32 s28, $0x1;
	[dreg:$0x2] =	wrdreg s2  }
0xa9: {  	[dreg:$0x3] =	wrdreg s4  }
0xaa: {  	[dreg:$0x4] =	wrdreg $0xC0  }
0xab: {  	_ =	task [dreg:s6], $0x5FFFF  }
0xac: {  	[dreg:$0x1] =	wrdreg $0xFFFFFFFF  }
0xad: {  	[dreg:$0x0] =	wrdreg $0x60  }
0xae: {  	[dreg:$0x2] =	wrdreg s24  }
0xaf: {  	[dreg:$0x3] =	wrdreg $0x50000  }
0xb0: {  	[dreg:$0x4] =	wrdreg $0x9  }
0xb1: {  	_ =	task.clear_ibuf [dreg:s6], $0x5FFFF;
	_ =	strace $0x90000046  }
0xb2: {  	s29 =	simm.s32 $0x9;
	_ =	strace $0x80000048  }
0xb3: {  	_ =	swait.ge [sflag:s29], $0x1  }
0xb4: {  	[sflag:s29] =	ssyncadd.s32 $0xFFFFFFFF  }
0xb5: {  	_ =	strace $0x90000048  }
0xb6: {  	_ =	sfence  }
0xb7: {  	s30 =	sld [smem:$0x0];
	_ =	sdelay $0x2  }
0xb8: {  	s31 =	sshll.u32 s1, $0xD;
	s1 =	sshrl.u32 s1, $0x2  }
0xb9: {  	s3 =	sand.u32 $0x4000, s31;
	s1 =	sadd.s32 s1, s30  }
0xba: {  	s0 =	sor.u32 s3, s0;
	s1 =	sshll.u32 s1, $0x11  }
0xbb: {  	s0 =	sor.u32 s1, s0  }
0xbc: {  	s0 =	sadd.s32 $0x8F2B, s0  }
0xbd: {  	[sflag:s0] =	ssyncadd.remote.s32 $0x1  }
0xbe: {  	_ =	sfence.sel $0xFFFF  }
0xbf: {  	[dreg:$0x0] =	wrdreg $0xFFFFFFFF;
	(pc) =	sbr.abs _section_cstart, $3  }
0xc0: {  	[dreg:$0x1] =	wrdreg $0xFFFFFFFF  }
0xc1: {  	_ =	task.clear_ibuf [dreg:s6], $0x2FFFF;
	_ =	strace $0x9FFFFFFF  }
0xc2: {  	(tm) =	ssettm $0x7FFFFFFF  }
0xc3: {  	_ =	shalt  }
tec
execute0_lowered:
.L_overlay_start_1:
0x0: {  	(tag) =	ssettag $0x1  }
0x1: {  	s3 =	rddreg [dreg:$0x0];
	s0 =	srdreg.scid  }
0x2: {  	s6 =	stileid.u32;
	s1 =	rddreg [dreg:$0x1]  }
0x3: {  	s2 =	simm.s32 $0x0;
	s9 =	simm.s32 $0x2800;
	s11 =	simm.s32 $0x0  }
0x4: {  	s4 =	sand.u32 $0x1, s0;
	s5 =	sshll.u32 s6, $0x1;
	s0 =	rddreg [dreg:$0x2]  }
0x5: {  	[smem:$0x7FF] =	sst s2;
	p0 =	sne.s32 s6, $0x0;
	s6 =	simm.s32 $0x1  }
0x6: {  	s5 =	sor.u32 s4, s5;
	_ =	strace $0x80000047;
	s7 =	ssub.s32 $0x2, s4  }
0x7: {  	s4 =	sshll.u32 s4, $0x4;
	s5 =	smul.u32 $0x500, s5;
	s8 =	sshrl.u32 s7, $0x1  }
0x8: {  	s10 =	sshrl.u32 @!p0 s1, $0x3;
	s4 =	sadd.s32 s4, s3;
	s7 =	ssub.s32 s7, s8  }
0x9: {  	s4 =	sadd.s32 $0x17800, s4;
	s8 =	simm.s32 $0x80;
	s5 =	sadd.s32 s5, s3  }
0xa: {  	v0 =	vimm.f32 $1.000000000e+00;
	v1 =	vimm.f32 $0.0e+00;
	s3 =	sadd.s32 $0xD800, s5;
	s5 =	smax.u32 s7, $0x1;
	s7 =	simm.s32 $0x2880  }
.LBB2_1:
0xb: {  	[tilespmem:s2], [sflag:$0x1] =	stream.linear.gather [hbm4b:s3+s2], $0x2780, $0x38;
	[tilespmem:$0x5278] =	vst v63  }
0xc: {  	_ =	swait.ge [sflag:s6], $0x2780  }
0xd: {  	[sflag:s6] =	ssyncset.done $0x0  }
0xe: {  	[sflag:s6] =	ssyncadd.s32 $0xFFFFD880  }
0xf: {  	[tilespmem:$0x2800] =	vst v0  }
0x10: {  	[tilespmem:$0x2810] =	vst v0  }
0x11: {  	[tilespmem:$0x2820] =	vst v0  }
.Ltmp0:
0x12: {  	[tilespmem:$0x2830] =	vst v0;
	(pc) =	sbr.rel @p0 .LBB2_5-.Ltmp0, $4  }
0x13: {  	[tilespmem:$0x2840] =	vst v0  }
0x14: {  	[tilespmem:$0x2850] =	vst v0  }
0x15: {  	[tilespmem:$0x2860] =	vst v0  }
0x16: {  	[tilespmem:$0x2870] =	vst v0  }
0x17: {  	s12 =	simm.s32 $0x40;
	s13 =	simm.s32 $0x0  }
.LBB2_3:
0x18: {  	p1 =	sne.s32 s12, $0x9DC0;
	[tilespmem:s13+$0x2880] =	vst v1;
	s13 =	smov.u32 s12;
	s12 =	sadd.s32 $0x40, s12  }
.Ltmp1:
0x19: {  	(pc) =	sbr.rel @p1 .LBB2_3-.Ltmp1, $2  }
0x1a: {  	_ =	sdelay $0x2  }
0x1b: {  	s13 =	sshra.s32 s13, $0x2  }
0x1c: {  	[tilespmem:s13+$0x2880] =	vst v1  }
0x1d: {  	[spmem:s1] =	stream.linear.scatter [tilespmem:s7], [sflag:$0x1], $0x2780, $0x38;
	[tilespmem:$0x5278] =	vst v63  }
0x1e: {  	_ =	swait.ge [sflag:s6], $0x2780  }
0x1f: {  	[sflag:s6] =	ssyncset.done $0x0  }
0x20: {  	[sflag:s6] =	ssyncadd.s32 $0xFFFFD880  }
.LBB2_5:
0x21: {  	[bflag:$0x0] =	sbarrier.arrive $0xFFFF;
	s12 =	simm.s32 $0x0  }
0x22: {  	[spmem:s1] =	stream.indirect.scatter.add.f32 [tilespmem:s9], [sflag:$0x1], $0x1, s12, s8, $0xb8;
	[tilespmem:$0x5278] =	vst v63  }
0x23: {  	_ =	swait.ge [sflag:s6], $0x80  }
0x24: {  	s12 =	simm.s32 $0x200;
	[sflag:s6] =	ssyncset.done $0x0  }
.LBB2_6:
0x25: {  	s13 =	sshra.s32 s12, $0x2;
	[sflag:s6] =	ssyncadd.s32 $0xFFFFFF80;
	p1 =	sne.s32 s12, $0x9C00  }
0x26: {  	[spmem:s1] =	stream.indirect.scatter.add.f32 [tilespmem:s9], [sflag:$0x1], $0x1, s13, s8, $0xb8;
	[tilespmem:$0x5278] =	vst v63  }
.Ltmp2:
0x27: {  	_ = 	snop;
	(pc) =	sbr.rel @p1 .LBB2_6-.Ltmp2, $4  }
0x28: {  	_ = 	snop  }
0x29: {  	s12 =	sadd.s32 $0x200, s12  }
0x2a: {  	_ =	swait.ge [sflag:s6], $0x80  }
0x2b: {  	[sflag:s6] =	ssyncset.done $0x0  }
0x2c: {  	[sflag:s6] =	ssyncadd.s32 $0xFFFFFF80;
	s12 =	simm.s32 @!p0 $0x1;
	s11 =	sadd.s32 $0x1, s11  }
0x2d: {  	s13 =	simm.s32 @!p0 $0x20;
	s14 =	simm.s32 @!p0 $0x10;
	p1 =	sne.s32 s11, s5  }
.Ltmp3:
0x2e: {  	s15 =	simm.s32 @!p0 $0x1C01;
	[bflag:$0x0] =	sbarrier.arrive $0xFFFF;
	(pc) =	sbr.rel @p1 .LBB2_1-.Ltmp3, $4  }
0x2f: {  	[hbm:s4@s13], [sflag:s15] =	dma.strided @!p0 [spmem:s10@s14], $0x4F0, s12, $0x10   }
0x30: {  	_ =	swait.ge @!p0 [sflag:s12], $0x4F0  }
0x31: {  	[sflag:s12] =	ssyncset.done @!p0 $0x0  }
0x32: {  	[sflag:s12] =	ssyncadd.s32 @!p0 $0xFFFFFB10  }
0x33: {  	_ =	sfence.sel $0x180000  }
0x34: {  	[bflag:$0x0] =	sbarrier.arrive $0xFFFF  }
0x35: {  	_ =	strace $0x90000047  }
0x36: {  	s0 =	sadd.s32 @!p0 $0x100000, s0;
	[bflag:$0x2] =	sbarrier.arrive $0xFFFF  }
0x37: {  	[sflag:s0] =	ssyncadd.tile.s32 @!p0 $0x1;
	_ =	shalt  }
.Lfunc_end2:
_tile_overlayer_lowered:
.L_overlay_start_2:
0x38: {  	(tag) =	ssettag $0x2  }
0x39: {  	s0 =	rddreg [dreg:$0x0];
	s2 =	stileid.u32  }
0x3a: {  	s1 =	rddreg [dreg:$0x1];
	p0 =	sne.s32 s2, $0x0  }
0x3b: {  	s3 =	rddreg [dreg:$0x2];
	[bflag:$0x3] =	sbarrier.arrive $0xFFFF;
	s2 =	simm.s32 @!p0 $0x1C01  }
0x3c: {  	[timem:s3], [sflag:s2] =	dma.local @!p0 [hbm:s0], s1  }
0x3d: {  	s0 =	simm.s32 @!p0 $0x1  }
0x3e: {  	_ =	swait.ge @!p0 [sflag:s0], s1  }
0x3f: {  	s1 =	ssub.s32 @!p0 $0x0, s1;
	[sflag:s0] =	ssyncset.done @!p0 $0x0  }
0x40: {  	[sflag:s0] =	ssyncadd.s32 @!p0 s1  }
0x41: {  	[bflag:$0x3] =	sbarrier.arrive $0xFFFF  }
0x42: {  	_ =	shalt  }

</sc_bundles>
